<compile_context>
chip_gen: v7x
topology: tpu7x:2x2x1
jax: 0.10.2.dev20260603
libtpu: 0.0.44.dev20260713+nightly
codegen_flags: <defaults>
</compile_context>

<pallas_src>
import functools

import jax
import jax.numpy as jnp
from jax import lax
from jax.experimental import pallas as pl
from jax.experimental.pallas import tpu as pltpu
from jax.experimental.pallas import tpu_sc as plsc

_B = 16384
_W = 1000
_KEEP = 100
_RPAD = 104
_ZROWS = 128
_BUFR = _RPAD + _ZROWS
_NC = 2
_NS = 16
_NW = _NC * _NS
_LPW = _B // _NW


def _sc_mask_t(x_hbm, out_hbm, buf, in_sem, out_sem):
    wid = lax.axis_index("s") * _NC + lax.axis_index("c")
    col0 = wid * _LPW

    gather = pltpu.make_async_copy(
        x_hbm.at[pl.ds(0, _RPAD), pl.ds(col0, _LPW)],
        buf.at[pl.ds(0, _RPAD)],
        in_sem,
    )
    gather.start()

    zero = jnp.zeros((16,), jnp.float32)

    def _zero_row(r, carry):
        for off in range(0, _LPW, 16):
            buf[r, pl.ds(off, 16)] = zero
        return carry

    lax.fori_loop(_RPAD, _BUFR, _zero_row, 0)
    gather.wait()
    lax.fori_loop(_KEEP, _RPAD, _zero_row, 0)

    def out_copy(dst_row, src_row, rows):
        return pltpu.make_async_copy(
            buf.at[pl.ds(src_row, rows)],
            out_hbm.at[pl.ds(dst_row, rows), pl.ds(col0, _LPW)],
            out_sem,
        )

    copies = [out_copy(0, 0, _BUFR)]
    for k in range(6):
        copies.append(out_copy(_BUFR + k * _ZROWS, _RPAD, _ZROWS))
    for c in copies:
        c.start()
    for c in copies:
        c.wait()


@functools.cache
def _build():
    mesh = plsc.VectorSubcoreMesh(core_axis_name="c", subcore_axis_name="s")
    return pl.kernel(
        _sc_mask_t,
        mesh=mesh,
        out_type=jax.ShapeDtypeStruct((_W, _B), jnp.float32),
        scratch_types=[
            pltpu.VMEM((_BUFR, _LPW), jnp.float32),
            pltpu.SemaphoreType.DMA,
            pltpu.SemaphoreType.DMA,
        ],
    )


def kernel(sender_input, labels):
    del labels
    return _build()(sender_input.T).T

# --- scband reference (transcript-rebuilt; emitter-appended) ---
"""Pipeline reference for scband-gradually-reveal-attributes-25838523253350 (READ-ONLY COPY).

The authoritative reference and input builder live on the scoring server;
editing this copy changes nothing except your own understanding.
"""

import jax, jax.numpy as jnp
import numpy as np

B = 16384
N_ATT = 10
N_VAL = 100
N_UNMASKED = 1  # initial_n_unmasked, left_to_right positioning


def setup_inputs(seed: int = 0) -> dict:
    key = jax.random.key(seed)
    k1, k2 = jax.random.split(key)
    sender_input = jax.random.uniform(k1, (B, N_ATT * N_VAL), dtype=jnp.float32)
    labels = jax.random.randint(k2, (B,), 0, N_VAL, dtype=jnp.int32)
    return {"sender_input": sender_input, "labels": labels}


def reference(sender_input, labels):
    # mask_positioning == 'left_to_right': mask attribute indices [n_unmasked, n_attributes)
    idxs_to_mask = jnp.arange(N_UNMASKED, N_ATT)  # shared across batch (expand in torch)
    # mask_attributes with masking_mode == 'zero_out': zero out the masked attribute blocks
    x = sender_input.reshape(B, N_ATT, N_VAL)
    x = x.at[:, idxs_to_mask, :].set(0.0)  # scatter-overwrite
    masked = x.reshape(B, N_ATT * N_VAL)
    # self.game(...) stub: the wrapped SenderReceiverRnnReinforce game is external;
    # we use an identity game so the wrapper's own computation (the masking) is tested.
    return masked

if __name__ == "__main__":
    import jax
    _d = setup_inputs()
    print(jax.jit(kernel)(*tuple(_d.values())))

</pallas_src>

<mosaic_0001>
#map = affine_map<(d0, d1) -> (0, 0)>
module attributes {stable_mosaic.version = 14 : i64} {
  func.func @_sc_mask_t(%arg0: i32, %arg1: i32, %arg2: memref<1000x16384xf32, #tpu.memory_space<hbm>>, %arg3: memref<1000x16384xf32, #tpu.memory_space<hbm>>, %arg4: memref<232x512xf32, #tpu.memory_space<vmem>>, %arg5: memref<!tpu.dma_semaphore, #tpu.memory_space<semaphore_mem>>, %arg6: memref<!tpu.dma_semaphore, #tpu.memory_space<semaphore_mem>>) attributes {dimension_semantics = [#tpu.dimension_semantics<core_parallel>, #tpu.dimension_semantics<subcore_parallel>], iteration_bounds = array<i64: 2, 16>, scalar_prefetch = 0 : i64, scratch_operands = 3 : i64, tpu.core_type = #tpu.core_type<sc_vector_subcore>, window_params = [{transform_indices = #map}, {transform_indices = #map}]} {
    %mul3A = arith.constant 2 : i32
    %mul3A_0 = arith.muli %arg1, %mul3A : i32
    %add3A = arith.addi %mul3A_0, %arg0 : i32
    %mul3A_1 = arith.constant 512 : i32
    %mul3A_2 = arith.muli %add3A, %mul3A_1 : i32
    %dma_start3A = arith.constant 0 : i32
    %dma_start3A_3 = arith.constant 0 : i32
    %dma_start3A_4 = tpu.memref_slice %arg4[%dma_start3A, %dma_start3A_3] : memref<232x512xf32, #tpu.memory_space<vmem>> -> memref<104x512xf32, #tpu.memory_space<vmem>>
    %dma_start3A_5 = arith.constant 0 : i32
    %dma_start3A_6 = tpu.memref_slice %arg2[%dma_start3A_5, %mul3A_2] : memref<1000x16384xf32, #tpu.memory_space<hbm>> -> memref<104x512xf32, #tpu.memory_space<hbm>>
    %dma_start3A_7 = arith.constant 0 : i32
    %dma_start3A_8 = arith.constant 0 : i32
    %dma_start3A_9 = tpu.memref_slice %arg4[%dma_start3A_7, %dma_start3A_8] : memref<232x512xf32, #tpu.memory_space<vmem>> -> memref<104x512xf32, #tpu.memory_space<vmem>>
    %dma_start3A_10 = arith.constant 0 : i32
    %dma_start3A_11 = tpu.memref_slice %arg2[%dma_start3A_10, %mul3A_2] : memref<1000x16384xf32, #tpu.memory_space<hbm>> -> memref<104x512xf32, #tpu.memory_space<hbm>>
    tpu.enqueue_dma source(%dma_start3A_11 : memref<104x512xf32, #tpu.memory_space<hbm>>) target(%dma_start3A_9 : memref<104x512xf32, #tpu.memory_space<vmem>>) target_semaphore(%arg5 : memref<!tpu.dma_semaphore, #tpu.memory_space<semaphore_mem>>)
    %broadcast_in_dim3A = arith.constant 0.000000e+00 : f32
    %broadcast_in_dim3A_12 = vector.broadcast %broadcast_in_dim3A : f32 to vector<16xf32>
    %scan3A = arith.constant 0 : i32
    %scan3A_13 = arith.constant 104 : i32
    %scan3A_14 = arith.constant 128 : i32
    %scan3A_15 = arith.addi %scan3A_13, %scan3A_14 : i32
    %scan3A_16 = arith.constant 1 : i32
    scf.for %scan3A_173 = %scan3A_13 to %scan3A_15 step %scan3A_16  : i32 {
      %swap3A = arith.index_cast %scan3A_173 : i32 to index
      %swap3A_174 = arith.constant 0 : index
      %swap3A_175 = tpu.vector_load %arg4[%swap3A, %swap3A_174] {strides = array<i32>} : memref<232x512xf32, #tpu.memory_space<vmem>>, vector<1x16xf32>,
      %swap3A_176 = vector.shape_cast %swap3A_175 : vector<1x16xf32> to vector<16xf32>
      %swap3A_177 = vector.shape_cast %broadcast_in_dim3A_12 : vector<16xf32> to vector<1x16xf32>
      tpu.vector_store %arg4[%swap3A, %swap3A_174], %swap3A_177 {strides = array<i32>} : memref<232x512xf32, #tpu.memory_space<vmem>>, vector<1x16xf32>,
      %swap3A_178 = arith.index_cast %scan3A_173 : i32 to index
      %swap3A_179 = arith.constant 16 : index
      %swap3A_180 = tpu.vector_load %arg4[%swap3A_178, %swap3A_179] {strides = array<i32>} : memref<232x512xf32, #tpu.memory_space<vmem>>, vector<1x16xf32>,
      %swap3A_181 = vector.shape_cast %swap3A_180 : vector<1x16xf32> to vector<16xf32>
      %swap3A_182 = vector.shape_cast %broadcast_in_dim3A_12 : vector<16xf32> to vector<1x16xf32>
      tpu.vector_store %arg4[%swap3A_178, %swap3A_179], %swap3A_182 {strides = array<i32>} : memref<232x512xf32, #tpu.memory_space<vmem>>, vector<1x16xf32>,
      %swap3A_183 = arith.index_cast %scan3A_173 : i32 to index
      %swap3A_184 = arith.constant 32 : index
      %swap3A_185 = tpu.vector_load %arg4[%swap3A_183, %swap3A_184] {strides = array<i32>} : memref<232x512xf32, #tpu.memory_space<vmem>>, vector<1x16xf32>,
      %swap3A_186 = vector.shape_cast %swap3A_185 : vector<1x16xf32> to vector<16xf32>
      %swap3A_187 = vector.shape_cast %broadcast_in_dim3A_12 : vector<16xf32> to vector<1x16xf32>
      tpu.vector_store %arg4[%swap3A_183, %swap3A_184], %swap3A_187 {strides = array<i32>} : memref<232x512xf32, #tpu.memory_space<vmem>>, vector<1x16xf32>,
      %swap3A_188 = arith.index_cast %scan3A_173 : i32 to index
      %swap3A_189 = arith.constant 48 : index
      %swap3A_190 = tpu.vector_load %arg4[%swap3A_188, %swap3A_189] {strides = array<i32>} : memref<232x512xf32, #tpu.memory_space<vmem>>, vector<1x16xf32>,
      %swap3A_191 = vector.shape_cast %swap3A_190 : vector<1x16xf32> to vector<16xf32>
      %swap3A_192 = vector.shape_cast %broadcast_in_dim3A_12 : vector<16xf32> to vector<1x16xf32>
      tpu.vector_store %arg4[%swap3A_188, %swap3A_189], %swap3A_192 {strides = array<i32>} : memref<232x512xf32, #tpu.memory_space<vmem>>, vector<1x16xf32>,
      %swap3A_193 = arith.index_cast %scan3A_173 : i32 to index
      %swap3A_194 = arith.constant 64 : index
      %swap3A_195 = tpu.vector_load %arg4[%swap3A_193, %swap3A_194] {strides = array<i32>} : memref<232x512xf32, #tpu.memory_space<vmem>>, vector<1x16xf32>,
      %swap3A_196 = vector.shape_cast %swap3A_195 : vector<1x16xf32> to vector<16xf32>
      %swap3A_197 = vector.shape_cast %broadcast_in_dim3A_12 : vector<16xf32> to vector<1x16xf32>
      tpu.vector_store %arg4[%swap3A_193, %swap3A_194], %swap3A_197 {strides = array<i32>} : memref<232x512xf32, #tpu.memory_space<vmem>>, vector<1x16xf32>,
      %swap3A_198 = arith.index_cast %scan3A_173 : i32 to index
      %swap3A_199 = arith.constant 80 : index
      %swap3A_200 = tpu.vector_load %arg4[%swap3A_198, %swap3A_199] {strides = array<i32>} : memref<232x512xf32, #tpu.memory_space<vmem>>, vector<1x16xf32>,
      %swap3A_201 = vector.shape_cast %swap3A_200 : vector<1x16xf32> to vector<16xf32>
      %swap3A_202 = vector.shape_cast %broadcast_in_dim3A_12 : vector<16xf32> to vector<1x16xf32>
      tpu.vector_store %arg4[%swap3A_198, %swap3A_199], %swap3A_202 {strides = array<i32>} : memref<232x512xf32, #tpu.memory_space<vmem>>, vector<1x16xf32>,
      %swap3A_203 = arith.index_cast %scan3A_173 : i32 to index
      %swap3A_204 = arith.constant 96 : index
      %swap3A_205 = tpu.vector_load %arg4[%swap3A_203, %swap3A_204] {strides = array<i32>} : memref<232x512xf32, #tpu.memory_space<vmem>>, vector<1x16xf32>,
      %swap3A_206 = vector.shape_cast %swap3A_205 : vector<1x16xf32> to vector<16xf32>
      %swap3A_207 = vector.shape_cast %broadcast_in_dim3A_12 : vector<16xf32> to vector<1x16xf32>
      tpu.vector_store %arg4[%swap3A_203, %swap3A_204], %swap3A_207 {strides = array<i32>} : memref<232x512xf32, #tpu.memory_space<vmem>>, vector<1x16xf32>,
      %swap3A_208 = arith.index_cast %scan3A_173 : i32 to index
      %swap3A_209 = arith.constant 112 : index
      %swap3A_210 = tpu.vector_load %arg4[%swap3A_208, %swap3A_209] {strides = array<i32>} : memref<232x512xf32, #tpu.memory_space<vmem>>, vector<1x16xf32>,
      %swap3A_211 = vector.shape_cast %swap3A_210 : vector<1x16xf32> to vector<16xf32>
      %swap3A_212 = vector.shape_cast %broadcast_in_dim3A_12 : vector<16xf32> to vector<1x16xf32>
      tpu.vector_store %arg4[%swap3A_208, %swap3A_209], %swap3A_212 {strides = array<i32>} : memref<232x512xf32, #tpu.memory_space<vmem>>, vector<1x16xf32>,
      %swap3A_213 = arith.index_cast %scan3A_173 : i32 to index
      %swap3A_214 = arith.constant 128 : index
      %swap3A_215 = tpu.vector_load %arg4[%swap3A_213, %swap3A_214] {strides = array<i32>} : memref<232x512xf32, #tpu.memory_space<vmem>>, vector<1x16xf32>,
      %swap3A_216 = vector.shape_cast %swap3A_215 : vector<1x16xf32> to vector<16xf32>
      %swap3A_217 = vector.shape_cast %broadcast_in_dim3A_12 : vector<16xf32> to vector<1x16xf32>
      tpu.vector_store %arg4[%swap3A_213, %swap3A_214], %swap3A_217 {strides = array<i32>} : memref<232x512xf32, #tpu.memory_space<vmem>>, vector<1x16xf32>,
      %swap3A_218 = arith.index_cast %scan3A_173 : i32 to index
      %swap3A_219 = arith.constant 144 : index
      %swap3A_220 = tpu.vector_load %arg4[%swap3A_218, %swap3A_219] {strides = array<i32>} : memref<232x512xf32, #tpu.memory_space<vmem>>, vector<1x16xf32>,
      %swap3A_221 = vector.shape_cast %swap3A_220 : vector<1x16xf32> to vector<16xf32>
      %swap3A_222 = vector.shape_cast %broadcast_in_dim3A_12 : vector<16xf32> to vector<1x16xf32>
      tpu.vector_store %arg4[%swap3A_218, %swap3A_219], %swap3A_222 {strides = array<i32>} : memref<232x512xf32, #tpu.memory_space<vmem>>, vector<1x16xf32>,
      %swap3A_223 = arith.index_cast %scan3A_173 : i32 to index
      %swap3A_224 = arith.constant 160 : index
      %swap3A_225 = tpu.vector_load %arg4[%swap3A_223, %swap3A_224] {strides = array<i32>} : memref<232x512xf32, #tpu.memory_space<vmem>>, vector<1x16xf32>,
      %swap3A_226 = vector.shape_cast %swap3A_225 : vector<1x16xf32> to vector<16xf32>
      %swap3A_227 = vector.shape_cast %broadcast_in_dim3A_12 : vector<16xf32> to vector<1x16xf32>
      tpu.vector_store %arg4[%swap3A_223, %swap3A_224], %swap3A_227 {strides = array<i32>} : memref<232x512xf32, #tpu.memory_space<vmem>>, vector<1x16xf32>,
      %swap3A_228 = arith.index_cast %scan3A_173 : i32 to index
      %swap3A_229 = arith.constant 176 : index
      %swap3A_230 = tpu.vector_load %arg4[%swap3A_228, %swap3A_229] {strides = array<i32>} : memref<232x512xf32, #tpu.memory_space<vmem>>, vector<1x16xf32>,
      %swap3A_231 = vector.shape_cast %swap3A_230 : vector<1x16xf32> to vector<16xf32>
      %swap3A_232 = vector.shape_cast %broadcast_in_dim3A_12 : vector<16xf32> to vector<1x16xf32>
      tpu.vector_store %arg4[%swap3A_228, %swap3A_229], %swap3A_232 {strides = array<i32>} : memref<232x512xf32, #tpu.memory_space<vmem>>, vector<1x16xf32>,
      %swap3A_233 = arith.index_cast %scan3A_173 : i32 to index
      %swap3A_234 = arith.constant 192 : index
      %swap3A_235 = tpu.vector_load %arg4[%swap3A_233, %swap3A_234] {strides = array<i32>} : memref<232x512xf32, #tpu.memory_space<vmem>>, vector<1x16xf32>,
      %swap3A_236 = vector.shape_cast %swap3A_235 : vector<1x16xf32> to vector<16xf32>
      %swap3A_237 = vector.shape_cast %broadcast_in_dim3A_12 : vector<16xf32> to vector<1x16xf32>
      tpu.vector_store %arg4[%swap3A_233, %swap3A_234], %swap3A_237 {strides = array<i32>} : memref<232x512xf32, #tpu.memory_space<vmem>>, vector<1x16xf32>,
      %swap3A_238 = arith.index_cast %scan3A_173 : i32 to index
      %swap3A_239 = arith.constant 208 : index
      %swap3A_240 = tpu.vector_load %arg4[%swap3A_238, %swap3A_239] {strides = array<i32>} : memref<232x512xf32, #tpu.memory_space<vmem>>, vector<1x16xf32>,
      %swap3A_241 = vector.shape_cast %swap3A_240 : vector<1x16xf32> to vector<16xf32>
      %swap3A_242 = vector.shape_cast %broadcast_in_dim3A_12 : vector<16xf32> to vector<1x16xf32>
      tpu.vector_store %arg4[%swap3A_238, %swap3A_239], %swap3A_242 {strides = array<i32>} : memref<232x512xf32, #tpu.memory_space<vmem>>, vector<1x16xf32>,
      %swap3A_243 = arith.index_cast %scan3A_173 : i32 to index
      %swap3A_244 = arith.constant 224 : index
      %swap3A_245 = tpu.vector_load %arg4[%swap3A_243, %swap3A_244] {strides = array<i32>} : memref<232x512xf32, #tpu.memory_space<vmem>>, vector<1x16xf32>,
      %swap3A_246 = vector.shape_cast %swap3A_245 : vector<1x16xf32> to vector<16xf32>
      %swap3A_247 = vector.shape_cast %broadcast_in_dim3A_12 : vector<16xf32> to vector<1x16xf32>
      tpu.vector_store %arg4[%swap3A_243, %swap3A_244], %swap3A_247 {strides = array<i32>} : memref<232x512xf32, #tpu.memory_space<vmem>>, vector<1x16xf32>,
      %swap3A_248 = arith.index_cast %scan3A_173 : i32 to index
      %swap3A_249 = arith.constant 240 : index
      %swap3A_250 = tpu.vector_load %arg4[%swap3A_248, %swap3A_249] {strides = array<i32>} : memref<232x512xf32, #tpu.memory_space<vmem>>, vector<1x16xf32>,
      %swap3A_251 = vector.shape_cast %swap3A_250 : vector<1x16xf32> to vector<16xf32>
      %swap3A_252 = vector.shape_cast %broadcast_in_dim3A_12 : vector<16xf32> to vector<1x16xf32>
      tpu.vector_store %arg4[%swap3A_248, %swap3A_249], %swap3A_252 {strides = array<i32>} : memref<232x512xf32, #tpu.memory_space<vmem>>, vector<1x16xf32>,
      %swap3A_253 = arith.index_cast %scan3A_173 : i32 to index
      %swap3A_254 = arith.constant 256 : index
      %swap3A_255 = tpu.vector_load %arg4[%swap3A_253, %swap3A_254] {strides = array<i32>} : memref<232x512xf32, #tpu.memory_space<vmem>>, vector<1x16xf32>,
      %swap3A_256 = vector.shape_cast %swap3A_255 : vector<1x16xf32> to vector<16xf32>
      %swap3A_257 = vector.shape_cast %broadcast_in_dim3A_12 : vector<16xf32> to vector<1x16xf32>
      tpu.vector_store %arg4[%swap3A_253, %swap3A_254], %swap3A_257 {strides = array<i32>} : memref<232x512xf32, #tpu.memory_space<vmem>>, vector<1x16xf32>,
      %swap3A_258 = arith.index_cast %scan3A_173 : i32 to index
      %swap3A_259 = arith.constant 272 : index
      %swap3A_260 = tpu.vector_load %arg4[%swap3A_258, %swap3A_259] {strides = array<i32>} : memref<232x512xf32, #tpu.memory_space<vmem>>, vector<1x16xf32>,
      %swap3A_261 = vector.shape_cast %swap3A_260 : vector<1x16xf32> to vector<16xf32>
      %swap3A_262 = vector.shape_cast %broadcast_in_dim3A_12 : vector<16xf32> to vector<1x16xf32>
      tpu.vector_store %arg4[%swap3A_258, %swap3A_259], %swap3A_262 {strides = array<i32>} : memref<232x512xf32, #tpu.memory_space<vmem>>, vector<1x16xf32>,
      %swap3A_263 = arith.index_cast %scan3A_173 : i32 to index
      %swap3A_264 = arith.constant 288 : index
      %swap3A_265 = tpu.vector_load %arg4[%swap3A_263, %swap3A_264] {strides = array<i32>} : memref<232x512xf32, #tpu.memory_space<vmem>>, vector<1x16xf32>,
      %swap3A_266 = vector.shape_cast %swap3A_265 : vector<1x16xf32> to vector<16xf32>
      %swap3A_267 = vector.shape_cast %broadcast_in_dim3A_12 : vector<16xf32> to vector<1x16xf32>
      tpu.vector_store %arg4[%swap3A_263, %swap3A_264], %swap3A_267 {strides = array<i32>} : memref<232x512xf32, #tpu.memory_space<vmem>>, vector<1x16xf32>,
      %swap3A_268 = arith.index_cast %scan3A_173 : i32 to index
      %swap3A_269 = arith.constant 304 : index
      %swap3A_270 = tpu.vector_load %arg4[%swap3A_268, %swap3A_269] {strides = array<i32>} : memref<232x512xf32, #tpu.memory_space<vmem>>, vector<1x16xf32>,
      %swap3A_271 = vector.shape_cast %swap3A_270 : vector<1x16xf32> to vector<16xf32>
      %swap3A_272 = vector.shape_cast %broadcast_in_dim3A_12 : vector<16xf32> to vector<1x16xf32>
      tpu.vector_store %arg4[%swap3A_268, %swap3A_269], %swap3A_272 {strides = array<i32>} : memref<232x512xf32, #tpu.memory_space<vmem>>, vector<1x16xf32>,
      %swap3A_273 = arith.index_cast %scan3A_173 : i32 to index
      %swap3A_274 = arith.constant 320 : index
      %swap3A_275 = tpu.vector_load %arg4[%swap3A_273, %swap3A_274] {strides = array<i32>} : memref<232x512xf32, #tpu.memory_space<vmem>>, vector<1x16xf32>,
      %swap3A_276 = vector.shape_cast %swap3A_275 : vector<1x16xf32> to vector<16xf32>
      %swap3A_277 = vector.shape_cast %broadcast_in_dim3A_12 : vector<16xf32> to vector<1x16xf32>
      tpu.vector_store %arg4[%swap3A_273, %swap3A_274], %swap3A_277 {strides = array<i32>} : memref<232x512xf32, #tpu.memory_space<vmem>>, vector<1x16xf32>,
      %swap3A_278 = arith.index_cast %scan3A_173 : i32 to index
      %swap3A_279 = arith.constant 336 : index
      %swap3A_280 = tpu.vector_load %arg4[%swap3A_278, %swap3A_279] {strides = array<i32>} : memref<232x512xf32, #tpu.memory_space<vmem>>, vector<1x16xf32>,
      %swap3A_281 = vector.shape_cast %swap3A_280 : vector<1x16xf32> to vector<16xf32>
      %swap3A_282 = vector.shape_cast %broadcast_in_dim3A_12 : vector<16xf32> to vector<1x16xf32>
      tpu.vector_store %arg4[%swap3A_278, %swap3A_279], %swap3A_282 {strides = array<i32>} : memref<232x512xf32, #tpu.memory_space<vmem>>, vector<1x16xf32>,
      %swap3A_283 = arith.index_cast %scan3A_173 : i32 to index
      %swap3A_284 = arith.constant 352 : index
      %swap3A_285 = tpu.vector_load %arg4[%swap3A_283, %swap3A_284] {strides = array<i32>} : memref<232x512xf32, #tpu.memory_space<vmem>>, vector<1x16xf32>,
      %swap3A_286 = vector.shape_cast %swap3A_285 : vector<1x16xf32> to vector<16xf32>
      %swap3A_287 = vector.shape_cast %broadcast_in_dim3A_12 : vector<16xf32> to vector<1x16xf32>
      tpu.vector_store %arg4[%swap3A_283, %swap3A_284], %swap3A_287 {strides = array<i32>} : memref<232x512xf32, #tpu.memory_space<vmem>>, vector<1x16xf32>,
      %swap3A_288 = arith.index_cast %scan3A_173 : i32 to index
      %swap3A_289 = arith.constant 368 : index
      %swap3A_290 = tpu.vector_load %arg4[%swap3A_288, %swap3A_289] {strides = array<i32>} : memref<232x512xf32, #tpu.memory_space<vmem>>, vector<1x16xf32>,
      %swap3A_291 = vector.shape_cast %swap3A_290 : vector<1x16xf32> to vector<16xf32>
      %swap3A_292 = vector.shape_cast %broadcast_in_dim3A_12 : vector<16xf32> to vector<1x16xf32>
      tpu.vector_store %arg4[%swap3A_288, %swap3A_289], %swap3A_292 {strides = array<i32>} : memref<232x512xf32, #tpu.memory_space<vmem>>, vector<1x16xf32>,
      %swap3A_293 = arith.index_cast %scan3A_173 : i32 to index
      %swap3A_294 = arith.constant 384 : index
      %swap3A_295 = tpu.vector_load %arg4[%swap3A_293, %swap3A_294] {strides = array<i32>} : memref<232x512xf32, #tpu.memory_space<vmem>>, vector<1x16xf32>,
      %swap3A_296 = vector.shape_cast %swap3A_295 : vector<1x16xf32> to vector<16xf32>
      %swap3A_297 = vector.shape_cast %broadcast_in_dim3A_12 : vector<16xf32> to vector<1x16xf32>
      tpu.vector_store %arg4[%swap3A_293, %swap3A_294], %swap3A_297 {strides = array<i32>} : memref<232x512xf32, #tpu.memory_space<vmem>>, vector<1x16xf32>,
      %swap3A_298 = arith.index_cast %scan3A_173 : i32 to index
      %swap3A_299 = arith.constant 400 : index
      %swap3A_300 = tpu.vector_load %arg4[%swap3A_298, %swap3A_299] {strides = array<i32>} : memref<232x512xf32, #tpu.memory_space<vmem>>, vector<1x16xf32>,
      %swap3A_301 = vector.shape_cast %swap3A_300 : vector<1x16xf32> to vector<16xf32>
      %swap3A_302 = vector.shape_cast %broadcast_in_dim3A_12 : vector<16xf32> to vector<1x16xf32>
      tpu.vector_store %arg4[%swap3A_298, %swap3A_299], %swap3A_302 {strides = array<i32>} : memref<232x512xf32, #tpu.memory_space<vmem>>, vector<1x16xf32>,
      %swap3A_303 = arith.index_cast %scan3A_173 : i32 to index
      %swap3A_304 = arith.constant 416 : index
      %swap3A_305 = tpu.vector_load %arg4[%swap3A_303, %swap3A_304] {strides = array<i32>} : memref<232x512xf32, #tpu.memory_space<vmem>>, vector<1x16xf32>,
      %swap3A_306 = vector.shape_cast %swap3A_305 : vector<1x16xf32> to vector<16xf32>
      %swap3A_307 = vector.shape_cast %broadcast_in_dim3A_12 : vector<16xf32> to vector<1x16xf32>
      tpu.vector_store %arg4[%swap3A_303, %swap3A_304], %swap3A_307 {strides = array<i32>} : memref<232x512xf32, #tpu.memory_space<vmem>>, vector<1x16xf32>,
      %swap3A_308 = arith.index_cast %scan3A_173 : i32 to index
      %swap3A_309 = arith.constant 432 : index
      %swap3A_310 = tpu.vector_load %arg4[%swap3A_308, %swap3A_309] {strides = array<i32>} : memref<232x512xf32, #tpu.memory_space<vmem>>, vector<1x16xf32>,
      %swap3A_311 = vector.shape_cast %swap3A_310 : vector<1x16xf32> to vector<16xf32>
      %swap3A_312 = vector.shape_cast %broadcast_in_dim3A_12 : vector<16xf32> to vector<1x16xf32>
      tpu.vector_store %arg4[%swap3A_308, %swap3A_309], %swap3A_312 {strides = array<i32>} : memref<232x512xf32, #tpu.memory_space<vmem>>, vector<1x16xf32>,
      %swap3A_313 = arith.index_cast %scan3A_173 : i32 to index
      %swap3A_314 = arith.constant 448 : index
      %swap3A_315 = tpu.vector_load %arg4[%swap3A_313, %swap3A_314] {strides = array<i32>} : memref<232x512xf32, #tpu.memory_space<vmem>>, vector<1x16xf32>,
      %swap3A_316 = vector.shape_cast %swap3A_315 : vector<1x16xf32> to vector<16xf32>
      %swap3A_317 = vector.shape_cast %broadcast_in_dim3A_12 : vector<16xf32> to vector<1x16xf32>
      tpu.vector_store %arg4[%swap3A_313, %swap3A_314], %swap3A_317 {strides = array<i32>} : memref<232x512xf32, #tpu.memory_space<vmem>>, vector<1x16xf32>,
      %swap3A_318 = arith.index_cast %scan3A_173 : i32 to index
      %swap3A_319 = arith.constant 464 : index
      %swap3A_320 = tpu.vector_load %arg4[%swap3A_318, %swap3A_319] {strides = array<i32>} : memref<232x512xf32, #tpu.memory_space<vmem>>, vector<1x16xf32>,
      %swap3A_321 = vector.shape_cast %swap3A_320 : vector<1x16xf32> to vector<16xf32>
      %swap3A_322 = vector.shape_cast %broadcast_in_dim3A_12 : vector<16xf32> to vector<1x16xf32>
      tpu.vector_store %arg4[%swap3A_318, %swap3A_319], %swap3A_322 {strides = array<i32>} : memref<232x512xf32, #tpu.memory_space<vmem>>, vector<1x16xf32>,
      %swap3A_323 = arith.index_cast %scan3A_173 : i32 to index
      %swap3A_324 = arith.constant 480 : index
      %swap3A_325 = tpu.vector_load %arg4[%swap3A_323, %swap3A_324] {strides = array<i32>} : memref<232x512xf32, #tpu.memory_space<vmem>>, vector<1x16xf32>,
      %swap3A_326 = vector.shape_cast %swap3A_325 : vector<1x16xf32> to vector<16xf32>
      %swap3A_327 = vector.shape_cast %broadcast_in_dim3A_12 : vector<16xf32> to vector<1x16xf32>
      tpu.vector_store %arg4[%swap3A_323, %swap3A_324], %swap3A_327 {strides = array<i32>} : memref<232x512xf32, #tpu.memory_space<vmem>>, vector<1x16xf32>,
      %swap3A_328 = arith.index_cast %scan3A_173 : i32 to index
      %swap3A_329 = arith.constant 496 : index
      %swap3A_330 = tpu.vector_load %arg4[%swap3A_328, %swap3A_329] {strides = array<i32>} : memref<232x512xf32, #tpu.memory_space<vmem>>, vector<1x16xf32>,
      %swap3A_331 = vector.shape_cast %swap3A_330 : vector<1x16xf32> to vector<16xf32>
      %swap3A_332 = vector.shape_cast %broadcast_in_dim3A_12 : vector<16xf32> to vector<1x16xf32>
      tpu.vector_store %arg4[%swap3A_328, %swap3A_329], %swap3A_332 {strides = array<i32>} : memref<232x512xf32, #tpu.memory_space<vmem>>, vector<1x16xf32>,
    }
    %scan3A_17 = arith.constant 128 : i32
    %dma_wait3A = arith.constant 0 : i32
    %dma_wait3A_18 = arith.constant 0 : i32
    %dma_wait3A_19 = tpu.memref_slice %arg4[%dma_wait3A, %dma_wait3A_18] : memref<232x512xf32, #tpu.memory_space<vmem>> -> memref<104x512xf32, #tpu.memory_space<vmem>>
    %dma_wait3A_20 = arith.constant 0 : i32
    %dma_wait3A_21 = tpu.memref_slice %arg2[%dma_wait3A_20, %mul3A_2] : memref<1000x16384xf32, #tpu.memory_space<hbm>> -> memref<104x512xf32, #tpu.memory_space<hbm>>
    %dma_wait3A_22 = arith.constant 0 : i32
    %dma_wait3A_23 = arith.constant 0 : i32
    %dma_wait3A_24 = tpu.memref_slice %arg4[%dma_wait3A_22, %dma_wait3A_23] : memref<232x512xf32, #tpu.memory_space<vmem>> -> memref<104x512xf32, #tpu.memory_space<vmem>>
    %dma_wait3A_25 = arith.constant 0 : i32
    %dma_wait3A_26 = tpu.memref_slice %arg2[%dma_wait3A_25, %mul3A_2] : memref<1000x16384xf32, #tpu.memory_space<hbm>> -> memref<104x512xf32, #tpu.memory_space<hbm>>
    tpu.wait_dma2 semaphore(%arg5 : memref<!tpu.dma_semaphore, #tpu.memory_space<semaphore_mem>>) src(%dma_wait3A_26 : memref<104x512xf32, #tpu.memory_space<hbm>>) dst(%dma_wait3A_24 : memref<104x512xf32, #tpu.memory_space<vmem>>)
    %scan3A_27 = arith.constant 0 : i32
    %scan3A_28 = arith.constant 100 : i32
    %scan3A_29 = arith.constant 4 : i32
    %scan3A_30 = arith.addi %scan3A_28, %scan3A_29 : i32
    %scan3A_31 = arith.constant 1 : i32
    scf.for %scan3A_173 = %scan3A_28 to %scan3A_30 step %scan3A_31  : i32 {
      %swap3A = arith.index_cast %scan3A_173 : i32 to index
      %swap3A_174 = arith.constant 0 : index
      %swap3A_175 = tpu.vector_load %arg4[%swap3A, %swap3A_174] {strides = array<i32>} : memref<232x512xf32, #tpu.memory_space<vmem>>, vector<1x16xf32>,
      %swap3A_176 = vector.shape_cast %swap3A_175 : vector<1x16xf32> to vector<16xf32>
      %swap3A_177 = vector.shape_cast %broadcast_in_dim3A_12 : vector<16xf32> to vector<1x16xf32>
      tpu.vector_store %arg4[%swap3A, %swap3A_174], %swap3A_177 {strides = array<i32>} : memref<232x512xf32, #tpu.memory_space<vmem>>, vector<1x16xf32>,
      %swap3A_178 = arith.index_cast %scan3A_173 : i32 to index
      %swap3A_179 = arith.constant 16 : index
      %swap3A_180 = tpu.vector_load %arg4[%swap3A_178, %swap3A_179] {strides = array<i32>} : memref<232x512xf32, #tpu.memory_space<vmem>>, vector<1x16xf32>,
      %swap3A_181 = vector.shape_cast %swap3A_180 : vector<1x16xf32> to vector<16xf32>
      %swap3A_182 = vector.shape_cast %broadcast_in_dim3A_12 : vector<16xf32> to vector<1x16xf32>
      tpu.vector_store %arg4[%swap3A_178, %swap3A_179], %swap3A_182 {strides = array<i32>} : memref<232x512xf32, #tpu.memory_space<vmem>>, vector<1x16xf32>,
      %swap3A_183 = arith.index_cast %scan3A_173 : i32 to index
      %swap3A_184 = arith.constant 32 : index
      %swap3A_185 = tpu.vector_load %arg4[%swap3A_183, %swap3A_184] {strides = array<i32>} : memref<232x512xf32, #tpu.memory_space<vmem>>, vector<1x16xf32>,
      %swap3A_186 = vector.shape_cast %swap3A_185 : vector<1x16xf32> to vector<16xf32>
      %swap3A_187 = vector.shape_cast %broadcast_in_dim3A_12 : vector<16xf32> to vector<1x16xf32>
      tpu.vector_store %arg4[%swap3A_183, %swap3A_184], %swap3A_187 {strides = array<i32>} : memref<232x512xf32, #tpu.memory_space<vmem>>, vector<1x16xf32>,
      %swap3A_188 = arith.index_cast %scan3A_173 : i32 to index
      %swap3A_189 = arith.constant 48 : index
      %swap3A_190 = tpu.vector_load %arg4[%swap3A_188, %swap3A_189] {strides = array<i32>} : memref<232x512xf32, #tpu.memory_space<vmem>>, vector<1x16xf32>,
      %swap3A_191 = vector.shape_cast %swap3A_190 : vector<1x16xf32> to vector<16xf32>
      %swap3A_192 = vector.shape_cast %broadcast_in_dim3A_12 : vector<16xf32> to vector<1x16xf32>
      tpu.vector_store %arg4[%swap3A_188, %swap3A_189], %swap3A_192 {strides = array<i32>} : memref<232x512xf32, #tpu.memory_space<vmem>>, vector<1x16xf32>,
      %swap3A_193 = arith.index_cast %scan3A_173 : i32 to index
      %swap3A_194 = arith.constant 64 : index
      %swap3A_195 = tpu.vector_load %arg4[%swap3A_193, %swap3A_194] {strides = array<i32>} : memref<232x512xf32, #tpu.memory_space<vmem>>, vector<1x16xf32>,
      %swap3A_196 = vector.shape_cast %swap3A_195 : vector<1x16xf32> to vector<16xf32>
      %swap3A_197 = vector.shape_cast %broadcast_in_dim3A_12 : vector<16xf32> to vector<1x16xf32>
      tpu.vector_store %arg4[%swap3A_193, %swap3A_194], %swap3A_197 {strides = array<i32>} : memref<232x512xf32, #tpu.memory_space<vmem>>, vector<1x16xf32>,
      %swap3A_198 = arith.index_cast %scan3A_173 : i32 to index
      %swap3A_199 = arith.constant 80 : index
      %swap3A_200 = tpu.vector_load %arg4[%swap3A_198, %swap3A_199] {strides = array<i32>} : memref<232x512xf32, #tpu.memory_space<vmem>>, vector<1x16xf32>,
      %swap3A_201 = vector.shape_cast %swap3A_200 : vector<1x16xf32> to vector<16xf32>
      %swap3A_202 = vector.shape_cast %broadcast_in_dim3A_12 : vector<16xf32> to vector<1x16xf32>
      tpu.vector_store %arg4[%swap3A_198, %swap3A_199], %swap3A_202 {strides = array<i32>} : memref<232x512xf32, #tpu.memory_space<vmem>>, vector<1x16xf32>,
      %swap3A_203 = arith.index_cast %scan3A_173 : i32 to index
      %swap3A_204 = arith.constant 96 : index
      %swap3A_205 = tpu.vector_load %arg4[%swap3A_203, %swap3A_204] {strides = array<i32>} : memref<232x512xf32, #tpu.memory_space<vmem>>, vector<1x16xf32>,
      %swap3A_206 = vector.shape_cast %swap3A_205 : vector<1x16xf32> to vector<16xf32>
      %swap3A_207 = vector.shape_cast %broadcast_in_dim3A_12 : vector<16xf32> to vector<1x16xf32>
      tpu.vector_store %arg4[%swap3A_203, %swap3A_204], %swap3A_207 {strides = array<i32>} : memref<232x512xf32, #tpu.memory_space<vmem>>, vector<1x16xf32>,
      %swap3A_208 = arith.index_cast %scan3A_173 : i32 to index
      %swap3A_209 = arith.constant 112 : index
      %swap3A_210 = tpu.vector_load %arg4[%swap3A_208, %swap3A_209] {strides = array<i32>} : memref<232x512xf32, #tpu.memory_space<vmem>>, vector<1x16xf32>,
      %swap3A_211 = vector.shape_cast %swap3A_210 : vector<1x16xf32> to vector<16xf32>
      %swap3A_212 = vector.shape_cast %broadcast_in_dim3A_12 : vector<16xf32> to vector<1x16xf32>
      tpu.vector_store %arg4[%swap3A_208, %swap3A_209], %swap3A_212 {strides = array<i32>} : memref<232x512xf32, #tpu.memory_space<vmem>>, vector<1x16xf32>,
      %swap3A_213 = arith.index_cast %scan3A_173 : i32 to index
      %swap3A_214 = arith.constant 128 : index
      %swap3A_215 = tpu.vector_load %arg4[%swap3A_213, %swap3A_214] {strides = array<i32>} : memref<232x512xf32, #tpu.memory_space<vmem>>, vector<1x16xf32>,
      %swap3A_216 = vector.shape_cast %swap3A_215 : vector<1x16xf32> to vector<16xf32>
      %swap3A_217 = vector.shape_cast %broadcast_in_dim3A_12 : vector<16xf32> to vector<1x16xf32>
      tpu.vector_store %arg4[%swap3A_213, %swap3A_214], %swap3A_217 {strides = array<i32>} : memref<232x512xf32, #tpu.memory_space<vmem>>, vector<1x16xf32>,
      %swap3A_218 = arith.index_cast %scan3A_173 : i32 to index
      %swap3A_219 = arith.constant 144 : index
      %swap3A_220 = tpu.vector_load %arg4[%swap3A_218, %swap3A_219] {strides = array<i32>} : memref<232x512xf32, #tpu.memory_space<vmem>>, vector<1x16xf32>,
      %swap3A_221 = vector.shape_cast %swap3A_220 : vector<1x16xf32> to vector<16xf32>
      %swap3A_222 = vector.shape_cast %broadcast_in_dim3A_12 : vector<16xf32> to vector<1x16xf32>
      tpu.vector_store %arg4[%swap3A_218, %swap3A_219], %swap3A_222 {strides = array<i32>} : memref<232x512xf32, #tpu.memory_space<vmem>>, vector<1x16xf32>,
      %swap3A_223 = arith.index_cast %scan3A_173 : i32 to index
      %swap3A_224 = arith.constant 160 : index
      %swap3A_225 = tpu.vector_load %arg4[%swap3A_223, %swap3A_224] {strides = array<i32>} : memref<232x512xf32, #tpu.memory_space<vmem>>, vector<1x16xf32>,
      %swap3A_226 = vector.shape_cast %swap3A_225 : vector<1x16xf32> to vector<16xf32>
      %swap3A_227 = vector.shape_cast %broadcast_in_dim3A_12 : vector<16xf32> to vector<1x16xf32>
      tpu.vector_store %arg4[%swap3A_223, %swap3A_224], %swap3A_227 {strides = array<i32>} : memref<232x512xf32, #tpu.memory_space<vmem>>, vector<1x16xf32>,
      %swap3A_228 = arith.index_cast %scan3A_173 : i32 to index
      %swap3A_229 = arith.constant 176 : index
      %swap3A_230 = tpu.vector_load %arg4[%swap3A_228, %swap3A_229] {strides = array<i32>} : memref<232x512xf32, #tpu.memory_space<vmem>>, vector<1x16xf32>,
      %swap3A_231 = vector.shape_cast %swap3A_230 : vector<1x16xf32> to vector<16xf32>
      %swap3A_232 = vector.shape_cast %broadcast_in_dim3A_12 : vector<16xf32> to vector<1x16xf32>
      tpu.vector_store %arg4[%swap3A_228, %swap3A_229], %swap3A_232 {strides = array<i32>} : memref<232x512xf32, #tpu.memory_space<vmem>>, vector<1x16xf32>,
      %swap3A_233 = arith.index_cast %scan3A_173 : i32 to index
      %swap3A_234 = arith.constant 192 : index
      %swap3A_235 = tpu.vector_load %arg4[%swap3A_233, %swap3A_234] {strides = array<i32>} : memref<232x512xf32, #tpu.memory_space<vmem>>, vector<1x16xf32>,
      %swap3A_236 = vector.shape_cast %swap3A_235 : vector<1x16xf32> to vector<16xf32>
      %swap3A_237 = vector.shape_cast %broadcast_in_dim3A_12 : vector<16xf32> to vector<1x16xf32>
      tpu.vector_store %arg4[%swap3A_233, %swap3A_234], %swap3A_237 {strides = array<i32>} : memref<232x512xf32, #tpu.memory_space<vmem>>, vector<1x16xf32>,
      %swap3A_238 = arith.index_cast %scan3A_173 : i32 to index
      %swap3A_239 = arith.constant 208 : index
      %swap3A_240 = tpu.vector_load %arg4[%swap3A_238, %swap3A_239] {strides = array<i32>} : memref<232x512xf32, #tpu.memory_space<vmem>>, vector<1x16xf32>,
      %swap3A_241 = vector.shape_cast %swap3A_240 : vector<1x16xf32> to vector<16xf32>
      %swap3A_242 = vector.shape_cast %broadcast_in_dim3A_12 : vector<16xf32> to vector<1x16xf32>
      tpu.vector_store %arg4[%swap3A_238, %swap3A_239], %swap3A_242 {strides = array<i32>} : memref<232x512xf32, #tpu.memory_space<vmem>>, vector<1x16xf32>,
      %swap3A_243 = arith.index_cast %scan3A_173 : i32 to index
      %swap3A_244 = arith.constant 224 : index
      %swap3A_245 = tpu.vector_load %arg4[%swap3A_243, %swap3A_244] {strides = array<i32>} : memref<232x512xf32, #tpu.memory_space<vmem>>, vector<1x16xf32>,
      %swap3A_246 = vector.shape_cast %swap3A_245 : vector<1x16xf32> to vector<16xf32>
      %swap3A_247 = vector.shape_cast %broadcast_in_dim3A_12 : vector<16xf32> to vector<1x16xf32>
      tpu.vector_store %arg4[%swap3A_243, %swap3A_244], %swap3A_247 {strides = array<i32>} : memref<232x512xf32, #tpu.memory_space<vmem>>, vector<1x16xf32>,
      %swap3A_248 = arith.index_cast %scan3A_173 : i32 to index
      %swap3A_249 = arith.constant 240 : index
      %swap3A_250 = tpu.vector_load %arg4[%swap3A_248, %swap3A_249] {strides = array<i32>} : memref<232x512xf32, #tpu.memory_space<vmem>>, vector<1x16xf32>,
      %swap3A_251 = vector.shape_cast %swap3A_250 : vector<1x16xf32> to vector<16xf32>
      %swap3A_252 = vector.shape_cast %broadcast_in_dim3A_12 : vector<16xf32> to vector<1x16xf32>
      tpu.vector_store %arg4[%swap3A_248, %swap3A_249], %swap3A_252 {strides = array<i32>} : memref<232x512xf32, #tpu.memory_space<vmem>>, vector<1x16xf32>,
      %swap3A_253 = arith.index_cast %scan3A_173 : i32 to index
      %swap3A_254 = arith.constant 256 : index
      %swap3A_255 = tpu.vector_load %arg4[%swap3A_253, %swap3A_254] {strides = array<i32>} : memref<232x512xf32, #tpu.memory_space<vmem>>, vector<1x16xf32>,
      %swap3A_256 = vector.shape_cast %swap3A_255 : vector<1x16xf32> to vector<16xf32>
      %swap3A_257 = vector.shape_cast %broadcast_in_dim3A_12 : vector<16xf32> to vector<1x16xf32>
      tpu.vector_store %arg4[%swap3A_253, %swap3A_254], %swap3A_257 {strides = array<i32>} : memref<232x512xf32, #tpu.memory_space<vmem>>, vector<1x16xf32>,
      %swap3A_258 = arith.index_cast %scan3A_173 : i32 to index
      %swap3A_259 = arith.constant 272 : index
      %swap3A_260 = tpu.vector_load %arg4[%swap3A_258, %swap3A_259] {strides = array<i32>} : memref<232x512xf32, #tpu.memory_space<vmem>>, vector<1x16xf32>,
      %swap3A_261 = vector.shape_cast %swap3A_260 : vector<1x16xf32> to vector<16xf32>
      %swap3A_262 = vector.shape_cast %broadcast_in_dim3A_12 : vector<16xf32> to vector<1x16xf32>
      tpu.vector_store %arg4[%swap3A_258, %swap3A_259], %swap3A_262 {strides = array<i32>} : memref<232x512xf32, #tpu.memory_space<vmem>>, vector<1x16xf32>,
      %swap3A_263 = arith.index_cast %scan3A_173 : i32 to index
      %swap3A_264 = arith.constant 288 : index
      %swap3A_265 = tpu.vector_load %arg4[%swap3A_263, %swap3A_264] {strides = array<i32>} : memref<232x512xf32, #tpu.memory_space<vmem>>, vector<1x16xf32>,
      %swap3A_266 = vector.shape_cast %swap3A_265 : vector<1x16xf32> to vector<16xf32>
      %swap3A_267 = vector.shape_cast %broadcast_in_dim3A_12 : vector<16xf32> to vector<1x16xf32>
      tpu.vector_store %arg4[%swap3A_263, %swap3A_264], %swap3A_267 {strides = array<i32>} : memref<232x512xf32, #tpu.memory_space<vmem>>, vector<1x16xf32>,
      %swap3A_268 = arith.index_cast %scan3A_173 : i32 to index
      %swap3A_269 = arith.constant 304 : index
      %swap3A_270 = tpu.vector_load %arg4[%swap3A_268, %swap3A_269] {strides = array<i32>} : memref<232x512xf32, #tpu.memory_space<vmem>>, vector<1x16xf32>,
      %swap3A_271 = vector.shape_cast %swap3A_270 : vector<1x16xf32> to vector<16xf32>
      %swap3A_272 = vector.shape_cast %broadcast_in_dim3A_12 : vector<16xf32> to vector<1x16xf32>
      tpu.vector_store %arg4[%swap3A_268, %swap3A_269], %swap3A_272 {strides = array<i32>} : memref<232x512xf32, #tpu.memory_space<vmem>>, vector<1x16xf32>,
      %swap3A_273 = arith.index_cast %scan3A_173 : i32 to index
      %swap3A_274 = arith.constant 320 : index
      %swap3A_275 = tpu.vector_load %arg4[%swap3A_273, %swap3A_274] {strides = array<i32>} : memref<232x512xf32, #tpu.memory_space<vmem>>, vector<1x16xf32>,
      %swap3A_276 = vector.shape_cast %swap3A_275 : vector<1x16xf32> to vector<16xf32>
      %swap3A_277 = vector.shape_cast %broadcast_in_dim3A_12 : vector<16xf32> to vector<1x16xf32>
      tpu.vector_store %arg4[%swap3A_273, %swap3A_274], %swap3A_277 {strides = array<i32>} : memref<232x512xf32, #tpu.memory_space<vmem>>, vector<1x16xf32>,
      %swap3A_278 = arith.index_cast %scan3A_173 : i32 to index
      %swap3A_279 = arith.constant 336 : index
      %swap3A_280 = tpu.vector_load %arg4[%swap3A_278, %swap3A_279] {strides = array<i32>} : memref<232x512xf32, #tpu.memory_space<vmem>>, vector<1x16xf32>,
      %swap3A_281 = vector.shape_cast %swap3A_280 : vector<1x16xf32> to vector<16xf32>
      %swap3A_282 = vector.shape_cast %broadcast_in_dim3A_12 : vector<16xf32> to vector<1x16xf32>
      tpu.vector_store %arg4[%swap3A_278, %swap3A_279], %swap3A_282 {strides = array<i32>} : memref<232x512xf32, #tpu.memory_space<vmem>>, vector<1x16xf32>,
      %swap3A_283 = arith.index_cast %scan3A_173 : i32 to index
      %swap3A_284 = arith.constant 352 : index
      %swap3A_285 = tpu.vector_load %arg4[%swap3A_283, %swap3A_284] {strides = array<i32>} : memref<232x512xf32, #tpu.memory_space<vmem>>, vector<1x16xf32>,
      %swap3A_286 = vector.shape_cast %swap3A_285 : vector<1x16xf32> to vector<16xf32>
      %swap3A_287 = vector.shape_cast %broadcast_in_dim3A_12 : vector<16xf32> to vector<1x16xf32>
      tpu.vector_store %arg4[%swap3A_283, %swap3A_284], %swap3A_287 {strides = array<i32>} : memref<232x512xf32, #tpu.memory_space<vmem>>, vector<1x16xf32>,
      %swap3A_288 = arith.index_cast %scan3A_173 : i32 to index
      %swap3A_289 = arith.constant 368 : index
      %swap3A_290 = tpu.vector_load %arg4[%swap3A_288, %swap3A_289] {strides = array<i32>} : memref<232x512xf32, #tpu.memory_space<vmem>>, vector<1x16xf32>,
      %swap3A_291 = vector.shape_cast %swap3A_290 : vector<1x16xf32> to vector<16xf32>
      %swap3A_292 = vector.shape_cast %broadcast_in_dim3A_12 : vector<16xf32> to vector<1x16xf32>
      tpu.vector_store %arg4[%swap3A_288, %swap3A_289], %swap3A_292 {strides = array<i32>} : memref<232x512xf32, #tpu.memory_space<vmem>>, vector<1x16xf32>,
      %swap3A_293 = arith.index_cast %scan3A_173 : i32 to index
      %swap3A_294 = arith.constant 384 : index
      %swap3A_295 = tpu.vector_load %arg4[%swap3A_293, %swap3A_294] {strides = array<i32>} : memref<232x512xf32, #tpu.memory_space<vmem>>, vector<1x16xf32>,
      %swap3A_296 = vector.shape_cast %swap3A_295 : vector<1x16xf32> to vector<16xf32>
      %swap3A_297 = vector.shape_cast %broadcast_in_dim3A_12 : vector<16xf32> to vector<1x16xf32>
      tpu.vector_store %arg4[%swap3A_293, %swap3A_294], %swap3A_297 {strides = array<i32>} : memref<232x512xf32, #tpu.memory_space<vmem>>, vector<1x16xf32>,
      %swap3A_298 = arith.index_cast %scan3A_173 : i32 to index
      %swap3A_299 = arith.constant 400 : index
      %swap3A_300 = tpu.vector_load %arg4[%swap3A_298, %swap3A_299] {strides = array<i32>} : memref<232x512xf32, #tpu.memory_space<vmem>>, vector<1x16xf32>,
      %swap3A_301 = vector.shape_cast %swap3A_300 : vector<1x16xf32> to vector<16xf32>
      %swap3A_302 = vector.shape_cast %broadcast_in_dim3A_12 : vector<16xf32> to vector<1x16xf32>
      tpu.vector_store %arg4[%swap3A_298, %swap3A_299], %swap3A_302 {strides = array<i32>} : memref<232x512xf32, #tpu.memory_space<vmem>>, vector<1x16xf32>,
      %swap3A_303 = arith.index_cast %scan3A_173 : i32 to index
      %swap3A_304 = arith.constant 416 : index
      %swap3A_305 = tpu.vector_load %arg4[%swap3A_303, %swap3A_304] {strides = array<i32>} : memref<232x512xf32, #tpu.memory_space<vmem>>, vector<1x16xf32>,
      %swap3A_306 = vector.shape_cast %swap3A_305 : vector<1x16xf32> to vector<16xf32>
      %swap3A_307 = vector.shape_cast %broadcast_in_dim3A_12 : vector<16xf32> to vector<1x16xf32>
      tpu.vector_store %arg4[%swap3A_303, %swap3A_304], %swap3A_307 {strides = array<i32>} : memref<232x512xf32, #tpu.memory_space<vmem>>, vector<1x16xf32>,
      %swap3A_308 = arith.index_cast %scan3A_173 : i32 to index
      %swap3A_309 = arith.constant 432 : index
      %swap3A_310 = tpu.vector_load %arg4[%swap3A_308, %swap3A_309] {strides = array<i32>} : memref<232x512xf32, #tpu.memory_space<vmem>>, vector<1x16xf32>,
      %swap3A_311 = vector.shape_cast %swap3A_310 : vector<1x16xf32> to vector<16xf32>
      %swap3A_312 = vector.shape_cast %broadcast_in_dim3A_12 : vector<16xf32> to vector<1x16xf32>
      tpu.vector_store %arg4[%swap3A_308, %swap3A_309], %swap3A_312 {strides = array<i32>} : memref<232x512xf32, #tpu.memory_space<vmem>>, vector<1x16xf32>,
      %swap3A_313 = arith.index_cast %scan3A_173 : i32 to index
      %swap3A_314 = arith.constant 448 : index
      %swap3A_315 = tpu.vector_load %arg4[%swap3A_313, %swap3A_314] {strides = array<i32>} : memref<232x512xf32, #tpu.memory_space<vmem>>, vector<1x16xf32>,
      %swap3A_316 = vector.shape_cast %swap3A_315 : vector<1x16xf32> to vector<16xf32>
      %swap3A_317 = vector.shape_cast %broadcast_in_dim3A_12 : vector<16xf32> to vector<1x16xf32>
      tpu.vector_store %arg4[%swap3A_313, %swap3A_314], %swap3A_317 {strides = array<i32>} : memref<232x512xf32, #tpu.memory_space<vmem>>, vector<1x16xf32>,
      %swap3A_318 = arith.index_cast %scan3A_173 : i32 to index
      %swap3A_319 = arith.constant 464 : index
      %swap3A_320 = tpu.vector_load %arg4[%swap3A_318, %swap3A_319] {strides = array<i32>} : memref<232x512xf32, #tpu.memory_space<vmem>>, vector<1x16xf32>,
      %swap3A_321 = vector.shape_cast %swap3A_320 : vector<1x16xf32> to vector<16xf32>
      %swap3A_322 = vector.shape_cast %broadcast_in_dim3A_12 : vector<16xf32> to vector<1x16xf32>
      tpu.vector_store %arg4[%swap3A_318, %swap3A_319], %swap3A_322 {strides = array<i32>} : memref<232x512xf32, #tpu.memory_space<vmem>>, vector<1x16xf32>,
      %swap3A_323 = arith.index_cast %scan3A_173 : i32 to index
      %swap3A_324 = arith.constant 480 : index
      %swap3A_325 = tpu.vector_load %arg4[%swap3A_323, %swap3A_324] {strides = array<i32>} : memref<232x512xf32, #tpu.memory_space<vmem>>, vector<1x16xf32>,
      %swap3A_326 = vector.shape_cast %swap3A_325 : vector<1x16xf32> to vector<16xf32>
      %swap3A_327 = vector.shape_cast %broadcast_in_dim3A_12 : vector<16xf32> to vector<1x16xf32>
      tpu.vector_store %arg4[%swap3A_323, %swap3A_324], %swap3A_327 {strides = array<i32>} : memref<232x512xf32, #tpu.memory_space<vmem>>, vector<1x16xf32>,
      %swap3A_328 = arith.index_cast %scan3A_173 : i32 to index
      %swap3A_329 = arith.constant 496 : index
      %swap3A_330 = tpu.vector_load %arg4[%swap3A_328, %swap3A_329] {strides = array<i32>} : memref<232x512xf32, #tpu.memory_space<vmem>>, vector<1x16xf32>,
      %swap3A_331 = vector.shape_cast %swap3A_330 : vector<1x16xf32> to vector<16xf32>
      %swap3A_332 = vector.shape_cast %broadcast_in_dim3A_12 : vector<16xf32> to vector<1x16xf32>
      tpu.vector_store %arg4[%swap3A_328, %swap3A_329], %swap3A_332 {strides = array<i32>} : memref<232x512xf32, #tpu.memory_space<vmem>>, vector<1x16xf32>,
    }
    %scan3A_32 = arith.constant 4 : i32
    %dma_start3A_33 = arith.constant 0 : i32
    %dma_start3A_34 = arith.constant 0 : i32
    %dma_start3A_35 = tpu.memref_slice %arg4[%dma_start3A_33, %dma_start3A_34] : memref<232x512xf32, #tpu.memory_space<vmem>> -> memref<232x512xf32, #tpu.memory_space<vmem>>
    %dma_start3A_36 = arith.constant 0 : i32
    %dma_start3A_37 = tpu.memref_slice %arg3[%dma_start3A_36, %mul3A_2] : memref<1000x16384xf32, #tpu.memory_space<hbm>> -> memref<232x512xf32, #tpu.memory_space<hbm>>
    %dma_start3A_38 = arith.constant 0 : i32
    %dma_start3A_39 = tpu.memref_slice %arg3[%dma_start3A_38, %mul3A_2] : memref<1000x16384xf32, #tpu.memory_space<hbm>> -> memref<232x512xf32, #tpu.memory_space<hbm>>
    %dma_start3A_40 = arith.constant 0 : i32
    %dma_start3A_41 = arith.constant 0 : i32
    %dma_start3A_42 = tpu.memref_slice %arg4[%dma_start3A_40, %dma_start3A_41] : memref<232x512xf32, #tpu.memory_space<vmem>> -> memref<232x512xf32, #tpu.memory_space<vmem>>
    tpu.enqueue_dma source(%dma_start3A_42 : memref<232x512xf32, #tpu.memory_space<vmem>>) target(%dma_start3A_39 : memref<232x512xf32, #tpu.memory_space<hbm>>) target_semaphore(%arg6 : memref<!tpu.dma_semaphore, #tpu.memory_space<semaphore_mem>>)
    %dma_start3A_43 = arith.constant 104 : i32
    %dma_start3A_44 = arith.constant 0 : i32
    %dma_start3A_45 = tpu.memref_slice %arg4[%dma_start3A_43, %dma_start3A_44] : memref<232x512xf32, #tpu.memory_space<vmem>> -> memref<128x512xf32, #tpu.memory_space<vmem>>
    %dma_start3A_46 = arith.constant 232 : i32
    %dma_start3A_47 = tpu.memref_slice %arg3[%dma_start3A_46, %mul3A_2] : memref<1000x16384xf32, #tpu.memory_space<hbm>> -> memref<128x512xf32, #tpu.memory_space<hbm>>
    %dma_start3A_48 = arith.constant 232 : i32
    %dma_start3A_49 = tpu.memref_slice %arg3[%dma_start3A_48, %mul3A_2] : memref<1000x16384xf32, #tpu.memory_space<hbm>> -> memref<128x512xf32, #tpu.memory_space<hbm>>
    %dma_start3A_50 = arith.constant 104 : i32
    %dma_start3A_51 = arith.constant 0 : i32
    %dma_start3A_52 = tpu.memref_slice %arg4[%dma_start3A_50, %dma_start3A_51] : memref<232x512xf32, #tpu.memory_space<vmem>> -> memref<128x512xf32, #tpu.memory_space<vmem>>
    tpu.enqueue_dma source(%dma_start3A_52 : memref<128x512xf32, #tpu.memory_space<vmem>>) target(%dma_start3A_49 : memref<128x512xf32, #tpu.memory_space<hbm>>) target_semaphore(%arg6 : memref<!tpu.dma_semaphore, #tpu.memory_space<semaphore_mem>>)
    %dma_start3A_53 = arith.constant 104 : i32
    %dma_start3A_54 = arith.constant 0 : i32
    %dma_start3A_55 = tpu.memref_slice %arg4[%dma_start3A_53, %dma_start3A_54] : memref<232x512xf32, #tpu.memory_space<vmem>> -> memref<128x512xf32, #tpu.memory_space<vmem>>
    %dma_start3A_56 = arith.constant 360 : i32
    %dma_start3A_57 = tpu.memref_slice %arg3[%dma_start3A_56, %mul3A_2] : memref<1000x16384xf32, #tpu.memory_space<hbm>> -> memref<128x512xf32, #tpu.memory_space<hbm>>
    %dma_start3A_58 = arith.constant 360 : i32
    %dma_start3A_59 = tpu.memref_slice %arg3[%dma_start3A_58, %mul3A_2] : memref<1000x16384xf32, #tpu.memory_space<hbm>> -> memref<128x512xf32, #tpu.memory_space<hbm>>
    %dma_start3A_60 = arith.constant 104 : i32
    %dma_start3A_61 = arith.constant 0 : i32
    %dma_start3A_62 = tpu.memref_slice %arg4[%dma_start3A_60, %dma_start3A_61] : memref<232x512xf32, #tpu.memory_space<vmem>> -> memref<128x512xf32, #tpu.memory_space<vmem>>
    tpu.enqueue_dma source(%dma_start3A_62 : memref<128x512xf32, #tpu.memory_space<vmem>>) target(%dma_start3A_59 : memref<128x512xf32, #tpu.memory_space<hbm>>) target_semaphore(%arg6 : memref<!tpu.dma_semaphore, #tpu.memory_space<semaphore_mem>>)
    %dma_start3A_63 = arith.constant 104 : i32
    %dma_start3A_64 = arith.constant 0 : i32
    %dma_start3A_65 = tpu.memref_slice %arg4[%dma_start3A_63, %dma_start3A_64] : memref<232x512xf32, #tpu.memory_space<vmem>> -> memref<128x512xf32, #tpu.memory_space<vmem>>
    %dma_start3A_66 = arith.constant 488 : i32
    %dma_start3A_67 = tpu.memref_slice %arg3[%dma_start3A_66, %mul3A_2] : memref<1000x16384xf32, #tpu.memory_space<hbm>> -> memref<128x512xf32, #tpu.memory_space<hbm>>
    %dma_start3A_68 = arith.constant 488 : i32
    %dma_start3A_69 = tpu.memref_slice %arg3[%dma_start3A_68, %mul3A_2] : memref<1000x16384xf32, #tpu.memory_space<hbm>> -> memref<128x512xf32, #tpu.memory_space<hbm>>
    %dma_start3A_70 = arith.constant 104 : i32
    %dma_start3A_71 = arith.constant 0 : i32
    %dma_start3A_72 = tpu.memref_slice %arg4[%dma_start3A_70, %dma_start3A_71] : memref<232x512xf32, #tpu.memory_space<vmem>> -> memref<128x512xf32, #tpu.memory_space<vmem>>
    tpu.enqueue_dma source(%dma_start3A_72 : memref<128x512xf32, #tpu.memory_space<vmem>>) target(%dma_start3A_69 : memref<128x512xf32, #tpu.memory_space<hbm>>) target_semaphore(%arg6 : memref<!tpu.dma_semaphore, #tpu.memory_space<semaphore_mem>>)
    %dma_start3A_73 = arith.constant 104 : i32
    %dma_start3A_74 = arith.constant 0 : i32
    %dma_start3A_75 = tpu.memref_slice %arg4[%dma_start3A_73, %dma_start3A_74] : memref<232x512xf32, #tpu.memory_space<vmem>> -> memref<128x512xf32, #tpu.memory_space<vmem>>
    %dma_start3A_76 = arith.constant 616 : i32
    %dma_start3A_77 = tpu.memref_slice %arg3[%dma_start3A_76, %mul3A_2] : memref<1000x16384xf32, #tpu.memory_space<hbm>> -> memref<128x512xf32, #tpu.memory_space<hbm>>
    %dma_start3A_78 = arith.constant 616 : i32
    %dma_start3A_79 = tpu.memref_slice %arg3[%dma_start3A_78, %mul3A_2] : memref<1000x16384xf32, #tpu.memory_space<hbm>> -> memref<128x512xf32, #tpu.memory_space<hbm>>
    %dma_start3A_80 = arith.constant 104 : i32
    %dma_start3A_81 = arith.constant 0 : i32
    %dma_start3A_82 = tpu.memref_slice %arg4[%dma_start3A_80, %dma_start3A_81] : memref<232x512xf32, #tpu.memory_space<vmem>> -> memref<128x512xf32, #tpu.memory_space<vmem>>
    tpu.enqueue_dma source(%dma_start3A_82 : memref<128x512xf32, #tpu.memory_space<vmem>>) target(%dma_start3A_79 : memref<128x512xf32, #tpu.memory_space<hbm>>) target_semaphore(%arg6 : memref<!tpu.dma_semaphore, #tpu.memory_space<semaphore_mem>>)
    %dma_start3A_83 = arith.constant 104 : i32
    %dma_start3A_84 = arith.constant 0 : i32
    %dma_start3A_85 = tpu.memref_slice %arg4[%dma_start3A_83, %dma_start3A_84] : memref<232x512xf32, #tpu.memory_space<vmem>> -> memref<128x512xf32, #tpu.memory_space<vmem>>
    %dma_start3A_86 = arith.constant 744 : i32
    %dma_start3A_87 = tpu.memref_slice %arg3[%dma_start3A_86, %mul3A_2] : memref<1000x16384xf32, #tpu.memory_space<hbm>> -> memref<128x512xf32, #tpu.memory_space<hbm>>
    %dma_start3A_88 = arith.constant 744 : i32
    %dma_start3A_89 = tpu.memref_slice %arg3[%dma_start3A_88, %mul3A_2] : memref<1000x16384xf32, #tpu.memory_space<hbm>> -> memref<128x512xf32, #tpu.memory_space<hbm>>
    %dma_start3A_90 = arith.constant 104 : i32
    %dma_start3A_91 = arith.constant 0 : i32
    %dma_start3A_92 = tpu.memref_slice %arg4[%dma_start3A_90, %dma_start3A_91] : memref<232x512xf32, #tpu.memory_space<vmem>> -> memref<128x512xf32, #tpu.memory_space<vmem>>
    tpu.enqueue_dma source(%dma_start3A_92 : memref<128x512xf32, #tpu.memory_space<vmem>>) target(%dma_start3A_89 : memref<128x512xf32, #tpu.memory_space<hbm>>) target_semaphore(%arg6 : memref<!tpu.dma_semaphore, #tpu.memory_space<semaphore_mem>>)
    %dma_start3A_93 = arith.constant 104 : i32
    %dma_start3A_94 = arith.constant 0 : i32
    %dma_start3A_95 = tpu.memref_slice %arg4[%dma_start3A_93, %dma_start3A_94] : memref<232x512xf32, #tpu.memory_space<vmem>> -> memref<128x512xf32, #tpu.memory_space<vmem>>
    %dma_start3A_96 = arith.constant 872 : i32
    %dma_start3A_97 = tpu.memref_slice %arg3[%dma_start3A_96, %mul3A_2] : memref<1000x16384xf32, #tpu.memory_space<hbm>> -> memref<128x512xf32, #tpu.memory_space<hbm>>
    %dma_start3A_98 = arith.constant 872 : i32
    %dma_start3A_99 = tpu.memref_slice %arg3[%dma_start3A_98, %mul3A_2] : memref<1000x16384xf32, #tpu.memory_space<hbm>> -> memref<128x512xf32, #tpu.memory_space<hbm>>
    %dma_start3A_100 = arith.constant 104 : i32
    %dma_start3A_101 = arith.constant 0 : i32
    %dma_start3A_102 = tpu.memref_slice %arg4[%dma_start3A_100, %dma_start3A_101] : memref<232x512xf32, #tpu.memory_space<vmem>> -> memref<128x512xf32, #tpu.memory_space<vmem>>
    tpu.enqueue_dma source(%dma_start3A_102 : memref<128x512xf32, #tpu.memory_space<vmem>>) target(%dma_start3A_99 : memref<128x512xf32, #tpu.memory_space<hbm>>) target_semaphore(%arg6 : memref<!tpu.dma_semaphore, #tpu.memory_space<semaphore_mem>>)
    %dma_wait3A_103 = arith.constant 0 : i32
    %dma_wait3A_104 = arith.constant 0 : i32
    %dma_wait3A_105 = tpu.memref_slice %arg4[%dma_wait3A_103, %dma_wait3A_104] : memref<232x512xf32, #tpu.memory_space<vmem>> -> memref<232x512xf32, #tpu.memory_space<vmem>>
    %dma_wait3A_106 = arith.constant 0 : i32
    %dma_wait3A_107 = tpu.memref_slice %arg3[%dma_wait3A_106, %mul3A_2] : memref<1000x16384xf32, #tpu.memory_space<hbm>> -> memref<232x512xf32, #tpu.memory_space<hbm>>
    %dma_wait3A_108 = arith.constant 0 : i32
    %dma_wait3A_109 = tpu.memref_slice %arg3[%dma_wait3A_108, %mul3A_2] : memref<1000x16384xf32, #tpu.memory_space<hbm>> -> memref<232x512xf32, #tpu.memory_space<hbm>>
    %dma_wait3A_110 = arith.constant 0 : i32
    %dma_wait3A_111 = arith.constant 0 : i32
    %dma_wait3A_112 = tpu.memref_slice %arg4[%dma_wait3A_110, %dma_wait3A_111] : memref<232x512xf32, #tpu.memory_space<vmem>> -> memref<232x512xf32, #tpu.memory_space<vmem>>
    tpu.wait_dma2 semaphore(%arg6 : memref<!tpu.dma_semaphore, #tpu.memory_space<semaphore_mem>>) src(%dma_wait3A_112 : memref<232x512xf32, #tpu.memory_space<vmem>>) dst(%dma_wait3A_109 : memref<232x512xf32, #tpu.memory_space<hbm>>)
    %dma_wait3A_113 = arith.constant 104 : i32
    %dma_wait3A_114 = arith.constant 0 : i32
    %dma_wait3A_115 = tpu.memref_slice %arg4[%dma_wait3A_113, %dma_wait3A_114] : memref<232x512xf32, #tpu.memory_space<vmem>> -> memref<128x512xf32, #tpu.memory_space<vmem>>
    %dma_wait3A_116 = arith.constant 232 : i32
    %dma_wait3A_117 = tpu.memref_slice %arg3[%dma_wait3A_116, %mul3A_2] : memref<1000x16384xf32, #tpu.memory_space<hbm>> -> memref<128x512xf32, #tpu.memory_space<hbm>>
    %dma_wait3A_118 = arith.constant 232 : i32
    %dma_wait3A_119 = tpu.memref_slice %arg3[%dma_wait3A_118, %mul3A_2] : memref<1000x16384xf32, #tpu.memory_space<hbm>> -> memref<128x512xf32, #tpu.memory_space<hbm>>
    %dma_wait3A_120 = arith.constant 104 : i32
    %dma_wait3A_121 = arith.constant 0 : i32
    %dma_wait3A_122 = tpu.memref_slice %arg4[%dma_wait3A_120, %dma_wait3A_121] : memref<232x512xf32, #tpu.memory_space<vmem>> -> memref<128x512xf32, #tpu.memory_space<vmem>>
    tpu.wait_dma2 semaphore(%arg6 : memref<!tpu.dma_semaphore, #tpu.memory_space<semaphore_mem>>) src(%dma_wait3A_122 : memref<128x512xf32, #tpu.memory_space<vmem>>) dst(%dma_wait3A_119 : memref<128x512xf32, #tpu.memory_space<hbm>>)
    %dma_wait3A_123 = arith.constant 104 : i32
    %dma_wait3A_124 = arith.constant 0 : i32
    %dma_wait3A_125 = tpu.memref_slice %arg4[%dma_wait3A_123, %dma_wait3A_124] : memref<232x512xf32, #tpu.memory_space<vmem>> -> memref<128x512xf32, #tpu.memory_space<vmem>>
    %dma_wait3A_126 = arith.constant 360 : i32
    %dma_wait3A_127 = tpu.memref_slice %arg3[%dma_wait3A_126, %mul3A_2] : memref<1000x16384xf32, #tpu.memory_space<hbm>> -> memref<128x512xf32, #tpu.memory_space<hbm>>
    %dma_wait3A_128 = arith.constant 360 : i32
    %dma_wait3A_129 = tpu.memref_slice %arg3[%dma_wait3A_128, %mul3A_2] : memref<1000x16384xf32, #tpu.memory_space<hbm>> -> memref<128x512xf32, #tpu.memory_space<hbm>>
    %dma_wait3A_130 = arith.constant 104 : i32
    %dma_wait3A_131 = arith.constant 0 : i32
    %dma_wait3A_132 = tpu.memref_slice %arg4[%dma_wait3A_130, %dma_wait3A_131] : memref<232x512xf32, #tpu.memory_space<vmem>> -> memref<128x512xf32, #tpu.memory_space<vmem>>
    tpu.wait_dma2 semaphore(%arg6 : memref<!tpu.dma_semaphore, #tpu.memory_space<semaphore_mem>>) src(%dma_wait3A_132 : memref<128x512xf32, #tpu.memory_space<vmem>>) dst(%dma_wait3A_129 : memref<128x512xf32, #tpu.memory_space<hbm>>)
    %dma_wait3A_133 = arith.constant 104 : i32
    %dma_wait3A_134 = arith.constant 0 : i32
    %dma_wait3A_135 = tpu.memref_slice %arg4[%dma_wait3A_133, %dma_wait3A_134] : memref<232x512xf32, #tpu.memory_space<vmem>> -> memref<128x512xf32, #tpu.memory_space<vmem>>
    %dma_wait3A_136 = arith.constant 488 : i32
    %dma_wait3A_137 = tpu.memref_slice %arg3[%dma_wait3A_136, %mul3A_2] : memref<1000x16384xf32, #tpu.memory_space<hbm>> -> memref<128x512xf32, #tpu.memory_space<hbm>>
    %dma_wait3A_138 = arith.constant 488 : i32
    %dma_wait3A_139 = tpu.memref_slice %arg3[%dma_wait3A_138, %mul3A_2] : memref<1000x16384xf32, #tpu.memory_space<hbm>> -> memref<128x512xf32, #tpu.memory_space<hbm>>
    %dma_wait3A_140 = arith.constant 104 : i32
    %dma_wait3A_141 = arith.constant 0 : i32
    %dma_wait3A_142 = tpu.memref_slice %arg4[%dma_wait3A_140, %dma_wait3A_141] : memref<232x512xf32, #tpu.memory_space<vmem>> -> memref<128x512xf32, #tpu.memory_space<vmem>>
    tpu.wait_dma2 semaphore(%arg6 : memref<!tpu.dma_semaphore, #tpu.memory_space<semaphore_mem>>) src(%dma_wait3A_142 : memref<128x512xf32, #tpu.memory_space<vmem>>) dst(%dma_wait3A_139 : memref<128x512xf32, #tpu.memory_space<hbm>>)
    %dma_wait3A_143 = arith.constant 104 : i32
    %dma_wait3A_144 = arith.constant 0 : i32
    %dma_wait3A_145 = tpu.memref_slice %arg4[%dma_wait3A_143, %dma_wait3A_144] : memref<232x512xf32, #tpu.memory_space<vmem>> -> memref<128x512xf32, #tpu.memory_space<vmem>>
    %dma_wait3A_146 = arith.constant 616 : i32
    %dma_wait3A_147 = tpu.memref_slice %arg3[%dma_wait3A_146, %mul3A_2] : memref<1000x16384xf32, #tpu.memory_space<hbm>> -> memref<128x512xf32, #tpu.memory_space<hbm>>
    %dma_wait3A_148 = arith.constant 616 : i32
    %dma_wait3A_149 = tpu.memref_slice %arg3[%dma_wait3A_148, %mul3A_2] : memref<1000x16384xf32, #tpu.memory_space<hbm>> -> memref<128x512xf32, #tpu.memory_space<hbm>>
    %dma_wait3A_150 = arith.constant 104 : i32
    %dma_wait3A_151 = arith.constant 0 : i32
    %dma_wait3A_152 = tpu.memref_slice %arg4[%dma_wait3A_150, %dma_wait3A_151] : memref<232x512xf32, #tpu.memory_space<vmem>> -> memref<128x512xf32, #tpu.memory_space<vmem>>
    tpu.wait_dma2 semaphore(%arg6 : memref<!tpu.dma_semaphore, #tpu.memory_space<semaphore_mem>>) src(%dma_wait3A_152 : memref<128x512xf32, #tpu.memory_space<vmem>>) dst(%dma_wait3A_149 : memref<128x512xf32, #tpu.memory_space<hbm>>)
    %dma_wait3A_153 = arith.constant 104 : i32
    %dma_wait3A_154 = arith.constant 0 : i32
    %dma_wait3A_155 = tpu.memref_slice %arg4[%dma_wait3A_153, %dma_wait3A_154] : memref<232x512xf32, #tpu.memory_space<vmem>> -> memref<128x512xf32, #tpu.memory_space<vmem>>
    %dma_wait3A_156 = arith.constant 744 : i32
    %dma_wait3A_157 = tpu.memref_slice %arg3[%dma_wait3A_156, %mul3A_2] : memref<1000x16384xf32, #tpu.memory_space<hbm>> -> memref<128x512xf32, #tpu.memory_space<hbm>>
    %dma_wait3A_158 = arith.constant 744 : i32
    %dma_wait3A_159 = tpu.memref_slice %arg3[%dma_wait3A_158, %mul3A_2] : memref<1000x16384xf32, #tpu.memory_space<hbm>> -> memref<128x512xf32, #tpu.memory_space<hbm>>
    %dma_wait3A_160 = arith.constant 104 : i32
    %dma_wait3A_161 = arith.constant 0 : i32
    %dma_wait3A_162 = tpu.memref_slice %arg4[%dma_wait3A_160, %dma_wait3A_161] : memref<232x512xf32, #tpu.memory_space<vmem>> -> memref<128x512xf32, #tpu.memory_space<vmem>>
    tpu.wait_dma2 semaphore(%arg6 : memref<!tpu.dma_semaphore, #tpu.memory_space<semaphore_mem>>) src(%dma_wait3A_162 : memref<128x512xf32, #tpu.memory_space<vmem>>) dst(%dma_wait3A_159 : memref<128x512xf32, #tpu.memory_space<hbm>>)
    %dma_wait3A_163 = arith.constant 104 : i32
    %dma_wait3A_164 = arith.constant 0 : i32
    %dma_wait3A_165 = tpu.memref_slice %arg4[%dma_wait3A_163, %dma_wait3A_164] : memref<232x512xf32, #tpu.memory_space<vmem>> -> memref<128x512xf32, #tpu.memory_space<vmem>>
    %dma_wait3A_166 = arith.constant 872 : i32
    %dma_wait3A_167 = tpu.memref_slice %arg3[%dma_wait3A_166, %mul3A_2] : memref<1000x16384xf32, #tpu.memory_space<hbm>> -> memref<128x512xf32, #tpu.memory_space<hbm>>
    %dma_wait3A_168 = arith.constant 872 : i32
    %dma_wait3A_169 = tpu.memref_slice %arg3[%dma_wait3A_168, %mul3A_2] : memref<1000x16384xf32, #tpu.memory_space<hbm>> -> memref<128x512xf32, #tpu.memory_space<hbm>>
    %dma_wait3A_170 = arith.constant 104 : i32
    %dma_wait3A_171 = arith.constant 0 : i32
    %dma_wait3A_172 = tpu.memref_slice %arg4[%dma_wait3A_170, %dma_wait3A_171] : memref<232x512xf32, #tpu.memory_space<vmem>> -> memref<128x512xf32, #tpu.memory_space<vmem>>
    tpu.wait_dma2 semaphore(%arg6 : memref<!tpu.dma_semaphore, #tpu.memory_space<semaphore_mem>>) src(%dma_wait3A_172 : memref<128x512xf32, #tpu.memory_space<vmem>>) dst(%dma_wait3A_169 : memref<128x512xf32, #tpu.memory_space<hbm>>)
    return
  }
}

</mosaic_0001>

<sc_bundles>
// kernel: kernel.3.cloned.1.call-start
scs
__scs_entry_jumppad:
0x0: {  	(pc) =	sbr.rel $0x88, $3  }
0x1: {  	(tag) =	ssettag $0x0;
	lr =	simm.s32 $0x1  }
0x2: {  	[smem:$0x3FA0] =	sst lr;
	_ =	strace $0xD0000000  }
0x3: {  	_ = 	snop  }
0x4: {  	_ = 	snop  }
0x5: {  	_ = 	snop  }
0x6: {  	_ = 	snop  }
0x7: {  	_ = 	snop  }
__scs_overlays_trampoline_lowered:
0x8: {  	[smem:$0x3FAF] =	sst s0  }
0x9: {  	[smem:$0x3FB0] =	sst s1  }
0xa: {  	[smem:$0x3FB1] =	sst s2  }
0xb: {  	[smem:$0x3FB2] =	sst s3  }
0xc: {  	[smem:$0x3FB3] =	sst s4  }
0xd: {  	[smem:$0x3FB4] =	sst s5  }
0xe: {  	[smem:$0x3FB5] =	sst s6  }
0xf: {  	[smem:$0x3FB6] =	sst s7  }
0x10: {  	[smem:$0x3FB7] =	sst s8  }
0x11: {  	[smem:$0x3FB8] =	sst s9;
	s0 =	simm.s32 @!p0 $0x0  }
0x12: {  	s1 =	sld [smem:$0x3F9E];
	s0 =	simm.s32 @p0 $0x1  }
0x13: {  	[smem:$0x3FB9] =	sst s0;
	s0 =	simm.s32 @!p1 $0x0  }
0x14: {  	s2 =	sld [smem:$0x3F9D];
	s0 =	simm.s32 @p1 $0x1  }
0x15: {  	[smem:$0x3FBA] =	sst s0;
	s0 =	simm.s32 @!p2 $0x0  }
0x16: {  	s3 =	sld [smem:$0x3FDB];
	s0 =	simm.s32 @p2 $0x1  }
0x17: {  	s4 =	simm.s32 $0x1BF5;
	[smem:$0x3FBC] =	sst s0  }
0x18: {  	s0 =	sld [smem:$0x3F9F];
	_ =	swait.ge [sflag:s4], $0x0  }
0x19: {  	s7 =	sld [smem:$0x3FA0]  }
0x1a: {  	s8 =	sadd.s32 $0xFFFFE003, lr  }
0x1b: {  	s9 =	sadd.s32 $0xFFFFFEF7, lr;
	s5 =	simm.s32 $0xFFFFFFFF;
	p2 =	slt.u32 s8, $0xFFFFF086  }
0x1c: {  	p1 =	slt.u32 s9, $0xF7A;
	s5 =	simm.s32 @!p2 $0x0  }
0x1d: {  	s5 =	simm.s32 @p1 $0x1;
	p0 =	seq.s32 s7, s2  }
0x1e: {  	s7 =	smul.u32 @!p0 $0xF7A, s2;
	p2 =	seq.s32 @!p0 s5, $0x0  }
0x1f: {  	s9 =	smul.u32 $0xF7A, s1;
	s8 =	simm.s32 @!p0 $0x1BF5;
	p2 =	por !p2, p0  }
0x20: {  	[sflag:s8] =	ssyncset.s32 @!p0 $0xFFFFF086;
	s6 =	sadd.s32 @!p0 s3, s7;
	s7 =	simm.s32 @!p0 $0x108  }
0x21: {  	s3 =	sadd.s32 s3, s9;
	s6 =	sadd.s32 @!p0 $0x88, s6;
	s7 =	simm.s32 @p2 $0x1082  }
0x22: {  	[simem:s7], [sflag:s8] =	dma.local @!p0 [hbm:s6], $0xF7A  }
0x23: {  	s9 =	sor.u32 $0xD0000000, s2;
	s6 =	simm.s32 $0x108;
	_ =	swait.ge @!p0 [sflag:s8], $0x0  }
0x24: {  	s3 =	sadd.s32 $0x88, s3;
	s6 =	simm.s32 @!p1 $0x1082;
	[sflag:s4] =	ssyncset.s32 $0xFFFFF086  }
0x25: {  	[simem:s6], [sflag:s4] =	dma.local [hbm:s3], $0xF7A  }
0x26: {  	[smem:$0x3FA0] =	sst s1;
	(tag) =	ssettag s2;
	_ =	strace s9  }
0x27: {  	s1 =	sld [smem:$0x3FB0]  }
0x28: {  	s2 =	sld [smem:$0x3FB1]  }
0x29: {  	s4 =	sld [smem:$0x3FB3]  }
0x2a: {  	p0 =	seq.s32 s5, $0x0;
	s5 =	sld [smem:$0x3FB4]  }
0x2b: {  	s6 =	sld [smem:$0x3FB5]  }
0x2c: {  	s7 =	sld [smem:$0x3FB6]  }
0x2d: {  	s3 =	simm.s32 $0x108;
	s8 =	sld [smem:$0x3FB7]  }
0x2e: {  	s3 =	simm.s32 @!p0 $0x1082;
	s9 =	sld [smem:$0x3FB8]  }
0x2f: {  	lr =	sadd.s32 s0, s3;
	s0 =	sld [smem:$0x3FAF]  }
0x30: {  	s3 =	sld [smem:$0x3FB2]  }
0x31: {  	[smem:$0x3FBB] =	sst s10  }
0x32: {  	s10 =	sld [smem:$0x3FB9];
	_ =	sdelay $0x3  }
0x33: {  	p0 =	seq.s32 s10, $0x1;
	s10 =	sld [smem:$0x3FBB];
	_ =	sdelay $0x3  }
0x34: {  	[smem:$0x3FBB] =	sst s10  }
0x35: {  	s10 =	sld [smem:$0x3FBA];
	_ =	sdelay $0x3  }
0x36: {  	p1 =	seq.s32 s10, $0x1;
	s10 =	sld [smem:$0x3FBB];
	_ =	sdelay $0x3  }
0x37: {  	[smem:$0x3FBB] =	sst s10  }
0x38: {  	s10 =	sld [smem:$0x3FBC]  }
0x39: {  	_ = 	snop;
	(pc) =	sbr.ind lr, $3  }
0x3a: {  	_ = 	snop  }
0x3b: {  	_ = 	snop  }
0x3c: {  	p2 =	seq.s32 s10, $0x1;
	s10 =	sld [smem:$0x3FBB]  }
0x3d: {  	_ =	shalt  }
0x3e: {  	_ =	shalt  }
0x3f: {  	_ =	shalt  }
0x40: {  	_ =	shalt  }
0x41: {  	_ =	shalt  }
0x42: {  	_ =	shalt  }
0x43: {  	_ =	shalt  }
0x44: {  	_ =	shalt  }
0x45: {  	_ =	shalt  }
0x46: {  	_ =	shalt  }
0x47: {  	_ =	shalt  }
0x48: {  	_ =	shalt  }
0x49: {  	_ =	shalt  }
0x4a: {  	_ =	shalt  }
0x4b: {  	_ =	shalt  }
0x4c: {  	_ =	shalt  }
0x4d: {  	_ =	shalt  }
0x4e: {  	_ =	shalt  }
0x4f: {  	_ =	shalt  }
0x50: {  	_ =	shalt  }
0x51: {  	_ =	shalt  }
0x52: {  	_ =	shalt  }
0x53: {  	_ =	shalt  }
0x54: {  	_ =	shalt  }
0x55: {  	_ =	shalt  }
0x56: {  	_ =	shalt  }
0x57: {  	_ =	shalt  }
0x58: {  	_ =	shalt  }
0x59: {  	_ =	shalt  }
0x5a: {  	_ =	shalt  }
0x5b: {  	_ =	shalt  }
0x5c: {  	_ =	shalt  }
0x5d: {  	_ =	shalt  }
0x5e: {  	_ =	shalt  }
0x5f: {  	_ =	shalt  }
0x60: {  	_ =	shalt  }
0x61: {  	_ =	shalt  }
0x62: {  	_ =	shalt  }
0x63: {  	_ =	shalt  }
0x64: {  	_ =	shalt  }
0x65: {  	_ =	shalt  }
0x66: {  	_ =	shalt  }
0x67: {  	_ =	shalt  }
0x68: {  	_ =	shalt  }
0x69: {  	_ =	shalt  }
0x6a: {  	_ =	shalt  }
0x6b: {  	_ =	shalt  }
0x6c: {  	_ =	shalt  }
0x6d: {  	_ =	shalt  }
0x6e: {  	_ =	shalt  }
0x6f: {  	_ =	shalt  }
0x70: {  	_ =	shalt  }
0x71: {  	_ =	shalt  }
0x72: {  	_ =	shalt  }
0x73: {  	_ =	shalt  }
0x74: {  	_ =	shalt  }
0x75: {  	_ =	shalt  }
0x76: {  	_ =	shalt  }
0x77: {  	_ =	shalt  }
0x78: {  	_ =	shalt  }
0x79: {  	_ =	shalt  }
0x7a: {  	_ =	shalt  }
0x7b: {  	_ =	shalt  }
0x7c: {  	_ =	shalt  }
0x7d: {  	_ =	shalt  }
0x7e: {  	_ =	shalt  }
0x7f: {  	_ =	shalt  }
0x80: {  	_ =	shalt  }
0x81: {  	_ =	shalt  }
0x82: {  	_ =	shalt  }
0x83: {  	_ =	shalt  }
0x84: {  	_ =	shalt  }
0x85: {  	_ =	shalt  }
0x86: {  	_ =	shalt  }
0x87: {  	_ =	shalt  }
.Lfunc_end0:
.L_simem_size_0:
called_computation_lowered:
.L_overlay_start_0:
0x88: {  	s2 =	sld [smem:$0x3FD9]  }
0x89: {  	s3 =	sld [smem:$0x3FFE];
	_ =	sdelay $0x1  }
0x8a: {  	s1 =	srdreg.scid  }
0x8b: {  	s0 =	sand.u32 $0x1, s1  }
0x8c: {  	s18 =	sshll.u32 s0, $0xA;
	s2 =	sadd.s32 s3, s2  }
0x8d: {  	s2 =	sadd.s32 s2, s18  }
0x8e: {  	[smem:$0x3FC7] =	sst s2  }
0x8f: {  	_ = 	snop  }
0x90: {  	s2 =	sld [smem:$0x3FC9]  }
0x91: {  	s19 =	sld [smem:$0x3FD0];
	(tm) =	ssettm $0x1  }
0x92: {  	s4 =	sld [smem:$0x3FFB];
	_ =	sdelay $0x3  }
0x93: {  	_ =	strace s4  }
0x94: {  	s4 =	sld [smem:$0x3FFC];
	_ =	sdelay $0x3  }
0x95: {  	_ =	strace s4  }
0x96: {  	s4 =	sld [smem:$0x3FFD];
	_ =	sdelay $0x3  }
0x97: {  	_ =	strace s4  }
0x98: {  	_ =	strace $0x8FFFFFFF  }
0x99: {  	s20 =	sld [smem:$0x3FDB];
	_ =	sdelay $0x1  }
0x9a: {  	s5 =	simm.s32 $_scs_section_size  }
0x9b: {  	s6 =	simm.s32 $_size__tile_overlayer_lowered;
	s7 =	simm.s32 $_tile_overlayer_lowered  }
0x9c: {  	s23 =	simm.s32 $0x1BFF;
	s22 =	sshll.u32 s7, $0x1;
	s4 =	sadd.s32 s5, s20  }
0x9d: {  	s8 =	simm.s32 $0x0;
	s21 =	sshll.u32 s6, $0x1;
	s6 =	sadd.s32 s22, s4  }
0x9e: {  	[timem:s8], [sflag:s23] =	dma.local [hbm:s6], s21  }
0x9f: {  	_ =	swait.ge [sflag:s23], s21  }
0xa0: {  	s5 =	ssub.s32 $0x0, s21;
	[sflag:s23] =	ssyncset.done $0x0  }
0xa1: {  	[sflag:s23] =	ssyncadd.s32 s5;
	_ =	sdelay $0x1  }
0xa2: {  	s24 =	simm.s32 $0x1B8B  }
0xa3: {  	_ =	swait.ge [sflag:s24], $0x1  }
0xa4: {  	[sflag:s24] =	ssyncset.done $0x0  }
0xa5: {  	s25 =	simm.s32 $0x1B8E;
	[sflag:s24] =	ssyncadd.s32 $0xFFFFFFFF  }
0xa6: {  	s26 =	simm.s32 $execute0_lowered;
	[smem:$0x3FD2] =	sst s25  }
0xa7: {  	s5 =	sshll.u32 s26, $0x1;
	_ =	strace $0x80000046;
	[dreg:$0x1] =	wrdreg $0xFFFFFFFF  }
0xa8: {  	s28 =	simm.s32 $_size_execute0_lowered;
	s4 =	sadd.s32 s4, s5;
	[dreg:$0x0] =	wrdreg $0x0  }
0xa9: {  	s5 =	sshll.u32 s28, $0x1;
	[dreg:$0x2] =	wrdreg s4  }
0xaa: {  	[dreg:$0x3] =	wrdreg s5  }
0xab: {  	[dreg:$0x4] =	wrdreg $0xC0  }
0xac: {  	_ =	task [dreg:s8], $0x5FFFF  }
0xad: {  	[dreg:$0x1] =	wrdreg $0xFFFFFFFF  }
0xae: {  	[dreg:$0x0] =	wrdreg $0x60  }
0xaf: {  	[dreg:$0x2] =	wrdreg s2  }
0xb0: {  	[dreg:$0x3] =	wrdreg s19  }
0xb1: {  	[dreg:$0x4] =	wrdreg $0x9  }
0xb2: {  	_ =	task.clear_ibuf [dreg:s8], $0x5FFFF;
	_ =	strace $0x90000046  }
0xb3: {  	s29 =	simm.s32 $0x9;
	_ =	strace $0x80000048  }
0xb4: {  	_ =	swait.ge [sflag:s29], $0x1  }
0xb5: {  	[sflag:s29] =	ssyncadd.s32 $0xFFFFFFFF  }
0xb6: {  	_ =	strace $0x90000048  }
0xb7: {  	_ =	sfence  }
0xb8: {  	s30 =	sld [smem:$0x0];
	_ =	sdelay $0x2  }
0xb9: {  	s31 =	sshll.u32 s1, $0xD;
	s1 =	sshrl.u32 s1, $0x2  }
0xba: {  	s3 =	sand.u32 $0x4000, s31;
	s1 =	sadd.s32 s1, s30  }
0xbb: {  	s0 =	sor.u32 s3, s0;
	s1 =	sshll.u32 s1, $0x11  }
0xbc: {  	s0 =	sor.u32 s1, s0  }
0xbd: {  	s0 =	sadd.s32 $0x8F2B, s0  }
0xbe: {  	[sflag:s0] =	ssyncadd.remote.s32 $0x1  }
0xbf: {  	_ =	sfence.sel $0xFFFF  }
0xc0: {  	[dreg:$0x0] =	wrdreg $0xFFFFFFFF;
	(pc) =	sbr.abs _section_cstart, $3  }
0xc1: {  	[dreg:$0x1] =	wrdreg $0xFFFFFFFF  }
0xc2: {  	_ =	task.clear_ibuf [dreg:s8], $0x2FFFF;
	_ =	strace $0x9FFFFFFF  }
0xc3: {  	(tm) =	ssettm $0x7FFFFFFF  }
tec
execute0_lowered:
.L_overlay_start_1:
0x0: {  	(tag) =	ssettag $0x1  }
0x1: {  	s4 =	rddreg [dreg:$0x0]  }
0x2: {  	s3 =	rddreg [dreg:$0x1];
	s2 =	srdreg.scid  }
0x3: {  	s0 =	rddreg [dreg:$0x2];
	s1 =	stileid.u32;
	s12 =	simm.s32 $0x1000  }
0x4: {  	s13 =	simm.s32 $0x20000;
	s14 =	simm.s32 $0x1;
	s15 =	simm.s32 $0xD000  }
0x5: {  	s16 =	simm.s32 $0x2;
	s17 =	simm.s32 $0x0;
	s5 =	sand.u32 $0x1, s2  }
0x6: {  	s2 =	simm.s32 $0x0;
	s6 =	sshll.u32 s1, $0xA;
	s7 =	sshll.u32 s5, $0x9  }
0x7: {  	[smem:$0x7FF] =	sst s2;
	s5 =	ssub.s32 $0x2, s5;
	s6 =	sor.u32 s7, s6  }
0x8: {  	_ =	strace $0x80000047;
	s31 =	sshrl.u32 s5, $0x1;
	s3 =	sadd.s32 s3, s6  }
0x9: {  	s11 =	ssub.s32 s5, s31;
	s4 =	sadd.s32 s4, s6;
	s5 =	sadd.s32 $0x74000, s3  }
0xa: {  	s6 =	sadd.s32 $0xB4000, s3;
	s7 =	sadd.s32 $0xF4000, s3;
	s8 =	sadd.s32 $0x134000, s3  }
0xb: {  	v0 =	vimm.f32 $0.0e+00;
	s9 =	sadd.s32 $0x174000, s3;
	s10 =	sadd.s32 $0x1B4000, s3;
	s11 =	smax.u32 s11, $0x1  }
.LBB2_1:
0xc: {  	[tilespmem:s2], [sflag:$0x1] =	stream.strided.gather [hbm4b:s4+s12], $0xD000, s13, s12, $0x38;
	[tilespmem:$0x1D000] =	vst v63  }
0xd: {  	s18 =	simm.s32 $0x3400  }
0xe: {  	s19 =	sand.u32 $0x1F000, s15;
	s18 =	sand.u32 $0x380, s18  }
0xf: {  	s18 =	sor.u32 s18, s19  }
0x10: {  	[tilespmem:s18+$0xC70] =	vst v0  }
0x11: {  	[tilespmem:s18+$0x0] =	vst v0  }
0x12: {  	[tilespmem:s18+$0x10] =	vst v0  }
0x13: {  	[tilespmem:s18+$0x20] =	vst v0  }
0x14: {  	[tilespmem:s18+$0x30] =	vst v0  }
0x15: {  	[tilespmem:s18+$0x40] =	vst v0  }
0x16: {  	[tilespmem:s18+$0x50] =	vst v0  }
0x17: {  	[tilespmem:s18+$0x60] =	vst v0  }
0x18: {  	[tilespmem:s18+$0x70] =	vst v0  }
0x19: {  	[tilespmem:s18+$0x400] =	vst v0  }
0x1a: {  	[tilespmem:s18+$0x410] =	vst v0  }
0x1b: {  	[tilespmem:s18+$0x420] =	vst v0  }
0x1c: {  	[tilespmem:s18+$0x430] =	vst v0  }
0x1d: {  	[tilespmem:s18+$0x440] =	vst v0  }
0x1e: {  	[tilespmem:s18+$0x450] =	vst v0  }
0x1f: {  	[tilespmem:s18+$0x460] =	vst v0  }
0x20: {  	[tilespmem:s18+$0x470] =	vst v0  }
0x21: {  	[tilespmem:s18+$0x800] =	vst v0  }
0x22: {  	[tilespmem:s18+$0x810] =	vst v0  }
0x23: {  	[tilespmem:s18+$0x820] =	vst v0  }
0x24: {  	[tilespmem:s18+$0x830] =	vst v0  }
0x25: {  	[tilespmem:s18+$0x840] =	vst v0  }
0x26: {  	[tilespmem:s18+$0x850] =	vst v0  }
0x27: {  	[tilespmem:s18+$0x860] =	vst v0  }
0x28: {  	[tilespmem:s18+$0x870] =	vst v0  }
0x29: {  	[tilespmem:s18+$0xC00] =	vst v0  }
0x2a: {  	[tilespmem:s18+$0xC10] =	vst v0  }
0x2b: {  	[tilespmem:s18+$0xC20] =	vst v0  }
0x2c: {  	[tilespmem:s18+$0xC30] =	vst v0  }
0x2d: {  	s20 =	simm.s32 $0xD200;
	s19 =	simm.s32 $0x3480;
	[tilespmem:s18+$0xC40] =	vst v0  }
0x2e: {  	s21 =	sand.u32 $0x1F000, s20;
	s20 =	simm.s32 $0xD400;
	s22 =	sand.u32 $0x380, s19;
	[tilespmem:s18+$0xC50] =	vst v0  }
.LBB2_2:
0x2f: {  	p0 =	sne.s32 s20, $0x1CE00;
	[tilespmem:s18+$0xC60] =	vst v0;
	s18 =	sor.u32 s22, s21  }
0x30: {  	[tilespmem:s18+$0xC70] =	vst v0  }
0x31: {  	[tilespmem:s18+$0x0] =	vst v0  }
0x32: {  	[tilespmem:s18+$0x10] =	vst v0  }
0x33: {  	[tilespmem:s18+$0x20] =	vst v0  }
0x34: {  	[tilespmem:s18+$0x30] =	vst v0  }
0x35: {  	[tilespmem:s18+$0x40] =	vst v0  }
0x36: {  	[tilespmem:s18+$0x50] =	vst v0  }
0x37: {  	[tilespmem:s18+$0x60] =	vst v0  }
0x38: {  	[tilespmem:s18+$0x70] =	vst v0  }
0x39: {  	[tilespmem:s18+$0x400] =	vst v0  }
0x3a: {  	[tilespmem:s18+$0x410] =	vst v0  }
0x3b: {  	[tilespmem:s18+$0x420] =	vst v0  }
0x3c: {  	[tilespmem:s18+$0x430] =	vst v0  }
0x3d: {  	[tilespmem:s18+$0x440] =	vst v0  }
0x3e: {  	[tilespmem:s18+$0x450] =	vst v0  }
0x3f: {  	[tilespmem:s18+$0x460] =	vst v0  }
0x40: {  	[tilespmem:s18+$0x470] =	vst v0  }
0x41: {  	[tilespmem:s18+$0x800] =	vst v0  }
0x42: {  	[tilespmem:s18+$0x810] =	vst v0  }
0x43: {  	[tilespmem:s18+$0x820] =	vst v0  }
0x44: {  	[tilespmem:s18+$0x830] =	vst v0  }
0x45: {  	[tilespmem:s18+$0x840] =	vst v0  }
0x46: {  	[tilespmem:s18+$0x850] =	vst v0  }
0x47: {  	[tilespmem:s18+$0x860] =	vst v0  }
0x48: {  	[tilespmem:s18+$0x870] =	vst v0  }
0x49: {  	[tilespmem:s18+$0xC00] =	vst v0  }
.Ltmp0:
0x4a: {  	[tilespmem:s18+$0xC10] =	vst v0;
	(pc) =	sbr.rel @p0 .LBB2_2-.Ltmp0, $4  }
0x4b: {  	[tilespmem:s18+$0xC20] =	vst v0  }
0x4c: {  	[tilespmem:s18+$0xC30] =	vst v0  }
0x4d: {  	s19 =	sadd.s32 $0x80, s19;
	[tilespmem:s18+$0xC40] =	vst v0  }
0x4e: {  	s21 =	sand.u32 $0x1F000, s20;
	s20 =	sadd.s32 $0x200, s20;
	s22 =	sand.u32 $0x380, s19;
	[tilespmem:s18+$0xC50] =	vst v0  }
0x4f: {  	s19 =	sor.u32 s22, s21;
	[tilespmem:s18+$0xC60] =	vst v0  }
0x50: {  	[tilespmem:s19+$0xC70] =	vst v0  }
0x51: {  	[tilespmem:s19+$0x0] =	vst v0  }
0x52: {  	[tilespmem:s19+$0x10] =	vst v0  }
0x53: {  	[tilespmem:s19+$0x20] =	vst v0  }
0x54: {  	[tilespmem:s19+$0x30] =	vst v0  }
0x55: {  	[tilespmem:s19+$0x40] =	vst v0  }
0x56: {  	[tilespmem:s19+$0x50] =	vst v0  }
0x57: {  	[tilespmem:s19+$0x60] =	vst v0  }
0x58: {  	[tilespmem:s19+$0x70] =	vst v0  }
0x59: {  	[tilespmem:s19+$0x400] =	vst v0  }
0x5a: {  	[tilespmem:s19+$0x410] =	vst v0  }
0x5b: {  	[tilespmem:s19+$0x420] =	vst v0  }
0x5c: {  	[tilespmem:s19+$0x430] =	vst v0  }
0x5d: {  	[tilespmem:s19+$0x440] =	vst v0  }
0x5e: {  	[tilespmem:s19+$0x450] =	vst v0  }
0x5f: {  	[tilespmem:s19+$0x460] =	vst v0  }
0x60: {  	[tilespmem:s19+$0x470] =	vst v0  }
0x61: {  	[tilespmem:s19+$0x800] =	vst v0  }
0x62: {  	[tilespmem:s19+$0x810] =	vst v0  }
0x63: {  	[tilespmem:s19+$0x820] =	vst v0  }
0x64: {  	[tilespmem:s19+$0x830] =	vst v0  }
0x65: {  	[tilespmem:s19+$0x840] =	vst v0  }
0x66: {  	[tilespmem:s19+$0x850] =	vst v0  }
0x67: {  	[tilespmem:s19+$0x860] =	vst v0  }
0x68: {  	[tilespmem:s19+$0x870] =	vst v0  }
0x69: {  	[tilespmem:s19+$0xC00] =	vst v0  }
0x6a: {  	[tilespmem:s19+$0xC10] =	vst v0  }
0x6b: {  	[tilespmem:s19+$0xC20] =	vst v0  }
0x6c: {  	[tilespmem:s19+$0xC30] =	vst v0  }
0x6d: {  	[tilespmem:s19+$0xC40] =	vst v0  }
0x6e: {  	[tilespmem:s19+$0xC50] =	vst v0  }
0x6f: {  	[tilespmem:s19+$0xC60] =	vst v0  }
0x70: {  	_ =	swait.ge [sflag:s14], $0xD000  }
0x71: {  	[sflag:s14] =	ssyncset.done $0x0  }
0x72: {  	[sflag:s14] =	ssyncadd.s32 $0xFFFF3000  }
0x73: {  	[tilespmem:$0xC200] =	vst v0  }
0x74: {  	[tilespmem:$0xC210] =	vst v0  }
0x75: {  	[tilespmem:$0xC220] =	vst v0  }
0x76: {  	[tilespmem:$0xC230] =	vst v0  }
0x77: {  	[tilespmem:$0xC240] =	vst v0  }
0x78: {  	[tilespmem:$0xC250] =	vst v0  }
0x79: {  	[tilespmem:$0xC260] =	vst v0  }
0x7a: {  	[tilespmem:$0xC270] =	vst v0  }
0x7b: {  	[tilespmem:$0xC600] =	vst v0  }
0x7c: {  	[tilespmem:$0xC610] =	vst v0  }
0x7d: {  	[tilespmem:$0xC620] =	vst v0  }
0x7e: {  	[tilespmem:$0xC630] =	vst v0  }
0x7f: {  	[tilespmem:$0xC640] =	vst v0  }
0x80: {  	[tilespmem:$0xC650] =	vst v0  }
0x81: {  	[tilespmem:$0xC660] =	vst v0  }
0x82: {  	[tilespmem:$0xC670] =	vst v0  }
0x83: {  	[tilespmem:$0xCA00] =	vst v0  }
0x84: {  	[tilespmem:$0xCA10] =	vst v0  }
0x85: {  	[tilespmem:$0xCA20] =	vst v0  }
0x86: {  	[tilespmem:$0xCA30] =	vst v0  }
0x87: {  	[tilespmem:$0xCA40] =	vst v0  }
0x88: {  	[tilespmem:$0xCA50] =	vst v0  }
0x89: {  	[tilespmem:$0xCA60] =	vst v0  }
0x8a: {  	[tilespmem:$0xCA70] =	vst v0  }
0x8b: {  	[tilespmem:$0xCE00] =	vst v0  }
0x8c: {  	[tilespmem:$0xCE10] =	vst v0  }
0x8d: {  	[tilespmem:$0xCE20] =	vst v0  }
0x8e: {  	[tilespmem:$0xCE30] =	vst v0  }
0x8f: {  	[tilespmem:$0xCE40] =	vst v0  }
0x90: {  	[tilespmem:$0xCE50] =	vst v0  }
0x91: {  	[tilespmem:$0xCE60] =	vst v0  }
0x92: {  	[tilespmem:$0xCE70] =	vst v0  }
0x93: {  	[tilespmem:$0xC280] =	vst v0  }
0x94: {  	[tilespmem:$0xC290] =	vst v0  }
0x95: {  	[tilespmem:$0xC2A0] =	vst v0  }
0x96: {  	[tilespmem:$0xC2B0] =	vst v0  }
0x97: {  	[tilespmem:$0xC2C0] =	vst v0  }
0x98: {  	[tilespmem:$0xC2D0] =	vst v0  }
0x99: {  	[tilespmem:$0xC2E0] =	vst v0  }
0x9a: {  	[tilespmem:$0xC2F0] =	vst v0  }
0x9b: {  	[tilespmem:$0xC680] =	vst v0  }
0x9c: {  	[tilespmem:$0xC690] =	vst v0  }
0x9d: {  	[tilespmem:$0xC6A0] =	vst v0  }
0x9e: {  	[tilespmem:$0xC6B0] =	vst v0  }
0x9f: {  	[tilespmem:$0xC6C0] =	vst v0  }
0xa0: {  	[tilespmem:$0xC6D0] =	vst v0  }
0xa1: {  	[tilespmem:$0xC6E0] =	vst v0  }
0xa2: {  	[tilespmem:$0xC6F0] =	vst v0  }
0xa3: {  	[tilespmem:$0xCA80] =	vst v0  }
0xa4: {  	[tilespmem:$0xCA90] =	vst v0  }
0xa5: {  	[tilespmem:$0xCAA0] =	vst v0  }
0xa6: {  	[tilespmem:$0xCAB0] =	vst v0  }
0xa7: {  	[tilespmem:$0xCAC0] =	vst v0  }
0xa8: {  	[tilespmem:$0xCAD0] =	vst v0  }
0xa9: {  	[tilespmem:$0xCAE0] =	vst v0  }
0xaa: {  	[tilespmem:$0xCAF0] =	vst v0  }
0xab: {  	[tilespmem:$0xCE80] =	vst v0  }
0xac: {  	[tilespmem:$0xCE90] =	vst v0  }
0xad: {  	[tilespmem:$0xCEA0] =	vst v0  }
0xae: {  	[tilespmem:$0xCEB0] =	vst v0  }
0xaf: {  	[tilespmem:$0xCEC0] =	vst v0  }
0xb0: {  	[tilespmem:$0xCED0] =	vst v0  }
0xb1: {  	[tilespmem:$0xCEE0] =	vst v0  }
0xb2: {  	[tilespmem:$0xCEF0] =	vst v0  }
0xb3: {  	[tilespmem:$0xC300] =	vst v0  }
0xb4: {  	[tilespmem:$0xC310] =	vst v0  }
0xb5: {  	[tilespmem:$0xC320] =	vst v0  }
0xb6: {  	[tilespmem:$0xC330] =	vst v0  }
0xb7: {  	[tilespmem:$0xC340] =	vst v0  }
0xb8: {  	[tilespmem:$0xC350] =	vst v0  }
0xb9: {  	[tilespmem:$0xC360] =	vst v0  }
0xba: {  	[tilespmem:$0xC370] =	vst v0  }
0xbb: {  	[tilespmem:$0xC700] =	vst v0  }
0xbc: {  	[tilespmem:$0xC710] =	vst v0  }
0xbd: {  	[tilespmem:$0xC720] =	vst v0  }
0xbe: {  	[tilespmem:$0xC730] =	vst v0  }
0xbf: {  	[tilespmem:$0xC740] =	vst v0  }
0xc0: {  	[tilespmem:$0xC750] =	vst v0  }
0xc1: {  	[tilespmem:$0xC760] =	vst v0  }
0xc2: {  	[tilespmem:$0xC770] =	vst v0  }
0xc3: {  	[tilespmem:$0xCB00] =	vst v0  }
0xc4: {  	[tilespmem:$0xCB10] =	vst v0  }
0xc5: {  	[tilespmem:$0xCB20] =	vst v0  }
0xc6: {  	[tilespmem:$0xCB30] =	vst v0  }
0xc7: {  	[tilespmem:$0xCB40] =	vst v0  }
0xc8: {  	[tilespmem:$0xCB50] =	vst v0  }
0xc9: {  	[tilespmem:$0xCB60] =	vst v0  }
0xca: {  	[tilespmem:$0xCB70] =	vst v0  }
0xcb: {  	[tilespmem:$0xCF00] =	vst v0  }
0xcc: {  	[tilespmem:$0xCF10] =	vst v0  }
0xcd: {  	[tilespmem:$0xCF20] =	vst v0  }
0xce: {  	[tilespmem:$0xCF30] =	vst v0  }
0xcf: {  	[tilespmem:$0xCF40] =	vst v0  }
0xd0: {  	[tilespmem:$0xCF50] =	vst v0  }
0xd1: {  	[tilespmem:$0xCF60] =	vst v0  }
0xd2: {  	[tilespmem:$0xCF70] =	vst v0  }
0xd3: {  	[tilespmem:$0xC380] =	vst v0  }
0xd4: {  	[tilespmem:$0xC390] =	vst v0  }
0xd5: {  	[tilespmem:$0xC3A0] =	vst v0  }
0xd6: {  	[tilespmem:$0xC3B0] =	vst v0  }
0xd7: {  	[tilespmem:$0xC3C0] =	vst v0  }
0xd8: {  	[tilespmem:$0xC3D0] =	vst v0  }
0xd9: {  	[tilespmem:$0xC3E0] =	vst v0  }
0xda: {  	[tilespmem:$0xC3F0] =	vst v0  }
0xdb: {  	[tilespmem:$0xC780] =	vst v0  }
0xdc: {  	[tilespmem:$0xC790] =	vst v0  }
0xdd: {  	[tilespmem:$0xC7A0] =	vst v0  }
0xde: {  	[tilespmem:$0xC7B0] =	vst v0  }
0xdf: {  	[tilespmem:$0xC7C0] =	vst v0  }
0xe0: {  	[tilespmem:$0xC7D0] =	vst v0  }
0xe1: {  	[tilespmem:$0xC7E0] =	vst v0  }
0xe2: {  	[tilespmem:$0xC7F0] =	vst v0  }
0xe3: {  	[tilespmem:$0xCB80] =	vst v0  }
0xe4: {  	[tilespmem:$0xCB90] =	vst v0  }
0xe5: {  	[tilespmem:$0xCBA0] =	vst v0  }
0xe6: {  	[tilespmem:$0xCBB0] =	vst v0  }
0xe7: {  	[tilespmem:$0xCBC0] =	vst v0  }
0xe8: {  	[tilespmem:$0xCBD0] =	vst v0  }
0xe9: {  	[tilespmem:$0xCBE0] =	vst v0  }
0xea: {  	[tilespmem:$0xCBF0] =	vst v0  }
0xeb: {  	[tilespmem:$0xCF80] =	vst v0  }
0xec: {  	[tilespmem:$0xCF90] =	vst v0  }
0xed: {  	[tilespmem:$0xCFA0] =	vst v0  }
0xee: {  	[tilespmem:$0xCFB0] =	vst v0  }
0xef: {  	[tilespmem:$0xCFC0] =	vst v0  }
0xf0: {  	[tilespmem:$0xCFD0] =	vst v0  }
0xf1: {  	[tilespmem:$0xCFE0] =	vst v0  }
0xf2: {  	[tilespmem:$0xCFF0] =	vst v0  }
0xf3: {  	[hbm4b:s3+s12] =	stream.strided.scatter [tilespmem:s2], [sflag:$0x2], $0x1D000, s13, s12, $0x38;
	[tilespmem:$0x1D000] =	vst v63  }
0xf4: {  	_ = 	snop  }
0xf5: {  	[hbm4b:s5+s12] =	stream.strided.scatter [tilespmem:s15], [sflag:$0x2], $0x10000, s13, s12, $0x38;
	[tilespmem:$0x1D000] =	vst v63  }
0xf6: {  	_ = 	snop  }
0xf7: {  	[hbm4b:s6+s12] =	stream.strided.scatter [tilespmem:s15], [sflag:$0x2], $0x10000, s13, s12, $0x38;
	[tilespmem:$0x1D000] =	vst v63  }
0xf8: {  	_ = 	snop  }
0xf9: {  	[hbm4b:s7+s12] =	stream.strided.scatter [tilespmem:s15], [sflag:$0x2], $0x10000, s13, s12, $0x38;
	[tilespmem:$0x1D000] =	vst v63  }
0xfa: {  	_ = 	snop  }
0xfb: {  	[hbm4b:s8+s12] =	stream.strided.scatter [tilespmem:s15], [sflag:$0x2], $0x10000, s13, s12, $0x38;
	[tilespmem:$0x1D000] =	vst v63  }
0xfc: {  	_ = 	snop  }
0xfd: {  	[hbm4b:s9+s12] =	stream.strided.scatter [tilespmem:s15], [sflag:$0x2], $0x10000, s13, s12, $0x38;
	[tilespmem:$0x1D000] =	vst v63  }
0xfe: {  	_ = 	snop  }
0xff: {  	[hbm4b:s10+s12] =	stream.strided.scatter [tilespmem:s15], [sflag:$0x2], $0x10000, s13, s12, $0x38;
	[tilespmem:$0x1D000] =	vst v63  }
0x100: {  	_ =	swait.ge [sflag:s16], $0x1D000  }
0x101: {  	[sflag:s16] =	ssyncset.done $0x0  }
0x102: {  	[sflag:s16] =	ssyncadd.s32 $0xFFFE3000  }
0x103: {  	_ =	swait.ge [sflag:s16], $0x10000  }
0x104: {  	[sflag:s16] =	ssyncset.done $0x0  }
0x105: {  	[sflag:s16] =	ssyncadd.s32 $0xFFFF0000  }
0x106: {  	_ =	swait.ge [sflag:s16], $0x10000  }
0x107: {  	[sflag:s16] =	ssyncset.done $0x0  }
0x108: {  	[sflag:s16] =	ssyncadd.s32 $0xFFFF0000  }
0x109: {  	_ =	swait.ge [sflag:s16], $0x10000  }
0x10a: {  	[sflag:s16] =	ssyncset.done $0x0  }
0x10b: {  	[sflag:s16] =	ssyncadd.s32 $0xFFFF0000  }
0x10c: {  	_ =	swait.ge [sflag:s16], $0x10000  }
0x10d: {  	[sflag:s16] =	ssyncset.done $0x0  }
0x10e: {  	s17 =	sadd.s32 $0x1, s17;
	[sflag:s16] =	ssyncadd.s32 $0xFFFF0000  }
0x10f: {  	p0 =	sne.s32 s17, s11;
	_ =	swait.ge [sflag:s16], $0x10000  }
.Ltmp1:
0x110: {  	[sflag:s16] =	ssyncset.done $0x0;
	(pc) =	sbr.rel @p0 .LBB2_1-.Ltmp1, $4  }
0x111: {  	[sflag:s16] =	ssyncadd.s32 $0xFFFF0000  }
0x112: {  	_ =	swait.ge [sflag:s16], $0x10000  }
0x113: {  	[sflag:s16] =	ssyncset.done $0x0  }
0x114: {  	[sflag:s16] =	ssyncadd.s32 $0xFFFF0000  }
0x115: {  	_ =	sfence.sel $0x180000  }
0x116: {  	[bflag:$0x0] =	sbarrier.arrive $0xFFFF  }
0x117: {  	p0 =	sne.s32 s1, $0x0;
	_ =	strace $0x90000047  }
0x118: {  	s0 =	sadd.s32 @!p0 $0x100000, s0;
	[bflag:$0x2] =	sbarrier.arrive $0xFFFF  }
0x119: {  	[sflag:s0] =	ssyncadd.tile.s32 @!p0 $0x1;
	_ =	shalt  }
.Lfunc_end2:
_tile_overlayer_lowered:
.L_overlay_start_2:
0x11a: {  	(tag) =	ssettag $0x2  }
0x11b: {  	s0 =	rddreg [dreg:$0x0];
	s2 =	stileid.u32  }
0x11c: {  	s1 =	rddreg [dreg:$0x1];
	p0 =	sne.s32 s2, $0x0  }
0x11d: {  	s3 =	rddreg [dreg:$0x2];
	[bflag:$0x3] =	sbarrier.arrive $0xFFFF;
	s2 =	simm.s32 @!p0 $0x1C03  }
0x11e: {  	[timem:s3], [sflag:s2] =	dma.local @!p0 [hbm:s0], s1  }
0x11f: {  	s0 =	simm.s32 @!p0 $0x3  }
0x120: {  	_ =	swait.ge @!p0 [sflag:s0], s1  }
0x121: {  	s1 =	ssub.s32 @!p0 $0x0, s1;
	[sflag:s0] =	ssyncset.done @!p0 $0x0  }
0x122: {  	[sflag:s0] =	ssyncadd.s32 @!p0 s1  }
0x123: {  	[bflag:$0x3] =	sbarrier.arrive $0xFFFF  }
0x124: {  	_ =	shalt  }

</sc_bundles>
